<compile_context>
chip_gen: v7x
topology: tpu7x:2x2x1
jax: 0.10.2.dev20260603
libtpu: 0.0.44.dev20260713+nightly
codegen_flags: <defaults>
</compile_context>

<pallas_src>
import jax
import jax.numpy as jnp
from jax import lax
from jax.experimental import pallas as pl
from jax.experimental.pallas import tpu as pltpu
from jax.experimental.pallas import tpu_sc as plsc

NUM_ACTIONS = 100000
ACTION_DIM = 32
BATCH = 16384
HIST = 50

NC, NS = 2, 16
NW = NC * NS
B_TOTAL = BATCH * HIST
PER_W = B_TOTAL // NW
CHUNK = 256
K = PER_W // CHUNK
SUB = 4
MEGA = CHUNK * SUB
N_MEGA = K // SUB


def _gather_body(idx_hbm, table_hbm, out_hbm, idx_v,
                 rows0, rows1, rows2, g0, g1, g2, o0, o1, o2, i0, i1):
    cid = lax.axis_index("c")
    sid = lax.axis_index("s")
    wid = sid * NC + cid
    base = wid * PER_W

    bufs = (rows0, rows1, rows2)
    gsems = (g0, g1, g2)
    osems = (o0, o1, o2)

    K2 = K // 2
    dh0 = pltpu.async_copy(idx_hbm.at[2 * wid], idx_v.at[pl.ds(0, K2)], i0)
    dh1 = pltpu.async_copy(idx_hbm.at[2 * wid + 1], idx_v.at[pl.ds(K2, K2)], i1)
    dh0.wait()

    def issue(m, b):
        for j in range(SUB):
            pltpu.async_copy(
                table_hbm.at[idx_v.at[m * SUB + j]],
                bufs[b].at[pl.ds(j * CHUNK, CHUNK)],
                gsems[b],
            )

    def drain(b):
        pltpu.make_async_copy(out_hbm.at[pl.ds(0, MEGA)], bufs[b], gsems[b]).wait()

    def out(m, b):
        pltpu.async_copy(bufs[b], out_hbm.at[pl.ds(base + m * MEGA, MEGA)], osems[b])

    def wait_out(b):
        pltpu.make_async_copy(bufs[b], out_hbm.at[pl.ds(0, MEGA)], osems[b]).wait()

    issue(0, 0)
    issue(1, 1)
    dh1.wait()

    drain(0)
    out(0, 0)
    issue(2, 2)

    @pl.loop(0, 7)
    def _steady(g):
        for b3 in range(3):
            m = 1 + 3 * g + b3
            db = (1 + b3) % 3
            nb = b3 % 3
            drain(db)
            out(m, db)
            wait_out(nb)
            issue(m + 2, nb)

    drain(1)
    out(22, 1)
    wait_out(0)
    issue(24, 0)
    drain(2)
    out(23, 2)
    drain(0)
    out(24, 0)

    wait_out(1)
    wait_out(2)
    wait_out(0)


_gather = pl.kernel(
    _gather_body,
    out_type=jax.ShapeDtypeStruct((B_TOTAL, ACTION_DIM), jnp.float32),
    mesh=plsc.VectorSubcoreMesh(core_axis_name="c", subcore_axis_name="s"),
    scratch_types=[
        pltpu.VMEM((K, CHUNK), jnp.int32),
        pltpu.VMEM((MEGA, ACTION_DIM), jnp.float32),
        pltpu.VMEM((MEGA, ACTION_DIM), jnp.float32),
        pltpu.VMEM((MEGA, ACTION_DIM), jnp.float32),
        pltpu.SemaphoreType.DMA,
        pltpu.SemaphoreType.DMA,
        pltpu.SemaphoreType.DMA,
        pltpu.SemaphoreType.DMA,
        pltpu.SemaphoreType.DMA,
        pltpu.SemaphoreType.DMA,
        pltpu.SemaphoreType.DMA,
        pltpu.SemaphoreType.DMA,
    ],
    compiler_params=pltpu.CompilerParams(use_tc_tiling_on_sc=False),
)


def kernel(action, table):
    idx = action.reshape(NW * 2, K // 2, CHUNK).astype(jnp.int32)
    out = _gather(idx, table)
    return out.reshape(BATCH, HIST * ACTION_DIM)

# --- scband reference (transcript-rebuilt; emitter-appended) ---
"""Pipeline reference for scband-action-embedding-representation-80633716015572 (READ-ONLY COPY).

The authoritative reference and input builder live on the scoring server;
editing this copy changes nothing except your own understanding.
"""

import jax, jax.numpy as jnp
import numpy as np

NUM_ACTIONS = 100000
ACTION_DIM = 32
BATCH = 16384
HIST = 50

def setup_inputs(seed: int = 0) -> dict:
    key = jax.random.key(seed)
    k_idx, k_tab = jax.random.split(key)
    action = jax.random.randint(k_idx, (BATCH, HIST), 0, NUM_ACTIONS, dtype=jnp.int64 if jax.config.jax_enable_x64 else jnp.int32)
    # nn.Embedding default init is N(0,1); torch_utils.init_weights typically re-inits,
    # but a normal-initialized table is faithful for the lookup math.
    table = jax.random.normal(k_tab, (NUM_ACTIONS, ACTION_DIM), dtype=jnp.float32)
    return {"action": action, "table": table}

def reference(action, table):
    # nn.Embedding: gather rows -> [B, L, D]
    emb = jnp.take(table, action, axis=0)
    # nn.Flatten(start_dim=-2): merge last two dims -> [B, L*D]
    out = emb.reshape(emb.shape[:-2] + (emb.shape[-2] * emb.shape[-1],))
    return out

if __name__ == "__main__":
    import jax
    _d = setup_inputs()
    print(jax.jit(kernel)(*tuple(_d.values())))

</pallas_src>

<mosaic_0001>
#map = affine_map<(d0, d1) -> (0, 0, 0)>
#map1 = affine_map<(d0, d1) -> (0, 0)>
module attributes {stable_mosaic.version = 14 : i64} {
  func.func @_gather_body(%arg0: i32, %arg1: i32, %arg2: memref<64x50x256xi32, #tpu.memory_space<hbm>>, %arg3: memref<100000x32xf32, #tpu.memory_space<hbm>>, %arg4: memref<819200x32xf32, #tpu.memory_space<hbm>>, %arg5: memref<100x256xi32, #tpu.memory_space<vmem>>, %arg6: memref<1024x32xf32, #tpu.memory_space<vmem>>, %arg7: memref<1024x32xf32, #tpu.memory_space<vmem>>, %arg8: memref<1024x32xf32, #tpu.memory_space<vmem>>, %arg9: memref<!tpu.dma_semaphore, #tpu.memory_space<semaphore_mem>>, %arg10: memref<!tpu.dma_semaphore, #tpu.memory_space<semaphore_mem>>, %arg11: memref<!tpu.dma_semaphore, #tpu.memory_space<semaphore_mem>>, %arg12: memref<!tpu.dma_semaphore, #tpu.memory_space<semaphore_mem>>, %arg13: memref<!tpu.dma_semaphore, #tpu.memory_space<semaphore_mem>>, %arg14: memref<!tpu.dma_semaphore, #tpu.memory_space<semaphore_mem>>, %arg15: memref<!tpu.dma_semaphore, #tpu.memory_space<semaphore_mem>>, %arg16: memref<!tpu.dma_semaphore, #tpu.memory_space<semaphore_mem>>) attributes {dimension_semantics = [#tpu.dimension_semantics<core_parallel>, #tpu.dimension_semantics<subcore_parallel>], iteration_bounds = array<i64: 2, 16>, scalar_prefetch = 0 : i64, scratch_operands = 12 : i64, tpu.core_type = #tpu.core_type<sc_vector_subcore>, window_params = [{transform_indices = #map}, {transform_indices = #map1}, {transform_indices = #map1}]} {
    %mul3A = arith.constant 2 : i32
    %mul3A_0 = arith.muli %arg1, %mul3A : i32
    %add3A = arith.addi %mul3A_0, %arg0 : i32
    %mul3A_1 = arith.constant 25600 : i32
    %mul3A_2 = arith.muli %add3A, %mul3A_1 : i32
    %mul3A_3 = arith.constant 2 : i32
    %mul3A_4 = arith.muli %mul3A_3, %add3A : i32
    %dma_start3A = arith.constant 0 : i32
    %dma_start3A_5 = arith.constant 0 : i32
    %dma_start3A_6 = tpu.memref_slice %arg5[%dma_start3A, %dma_start3A_5] : memref<100x256xi32, #tpu.memory_space<vmem>> -> memref<50x256xi32, #tpu.memory_space<vmem>>
    %dma_start3A_7 = arith.constant 0 : i32
    %dma_start3A_8 = arith.constant 0 : i32
    %dma_start3A_9 = tpu.memref_slice %arg2[%mul3A_4, %dma_start3A_7, %dma_start3A_8] : memref<64x50x256xi32, #tpu.memory_space<hbm>> -> memref<1x50x256xi32, #tpu.memory_space<hbm>>
    %dma_start3A_10 = tpu.memref_squeeze %dma_start3A_9 : memref<1x50x256xi32, #tpu.memory_space<hbm>> -> memref<50x256xi32, #tpu.memory_space<hbm>>
    %dma_start3A_11 = arith.constant 0 : i32
    %dma_start3A_12 = arith.constant 0 : i32
    %dma_start3A_13 = tpu.memref_slice %arg5[%dma_start3A_11, %dma_start3A_12] : memref<100x256xi32, #tpu.memory_space<vmem>> -> memref<50x256xi32, #tpu.memory_space<vmem>>
    %dma_start3A_14 = arith.constant 0 : i32
    %dma_start3A_15 = arith.constant 0 : i32
    %dma_start3A_16 = tpu.memref_slice %arg2[%mul3A_4, %dma_start3A_14, %dma_start3A_15] : memref<64x50x256xi32, #tpu.memory_space<hbm>> -> memref<1x50x256xi32, #tpu.memory_space<hbm>>
    %dma_start3A_17 = tpu.memref_squeeze %dma_start3A_16 : memref<1x50x256xi32, #tpu.memory_space<hbm>> -> memref<50x256xi32, #tpu.memory_space<hbm>>
    tpu.enqueue_dma source(%dma_start3A_17 : memref<50x256xi32, #tpu.memory_space<hbm>>) target(%dma_start3A_13 : memref<50x256xi32, #tpu.memory_space<vmem>>) target_semaphore(%arg15 : memref<!tpu.dma_semaphore, #tpu.memory_space<semaphore_mem>>)
    %mul3A_18 = arith.constant 2 : i32
    %mul3A_19 = arith.muli %mul3A_18, %add3A : i32
    %add3A_20 = arith.constant 1 : i32
    %add3A_21 = arith.addi %mul3A_19, %add3A_20 : i32
    %dma_start3A_22 = arith.constant 50 : i32
    %dma_start3A_23 = arith.constant 0 : i32
    %dma_start3A_24 = tpu.memref_slice %arg5[%dma_start3A_22, %dma_start3A_23] : memref<100x256xi32, #tpu.memory_space<vmem>> -> memref<50x256xi32, #tpu.memory_space<vmem>>
    %dma_start3A_25 = arith.constant 0 : i32
    %dma_start3A_26 = arith.constant 0 : i32
    %dma_start3A_27 = tpu.memref_slice %arg2[%add3A_21, %dma_start3A_25, %dma_start3A_26] : memref<64x50x256xi32, #tpu.memory_space<hbm>> -> memref<1x50x256xi32, #tpu.memory_space<hbm>>
    %dma_start3A_28 = tpu.memref_squeeze %dma_start3A_27 : memref<1x50x256xi32, #tpu.memory_space<hbm>> -> memref<50x256xi32, #tpu.memory_space<hbm>>
    %dma_start3A_29 = arith.constant 50 : i32
    %dma_start3A_30 = arith.constant 0 : i32
    %dma_start3A_31 = tpu.memref_slice %arg5[%dma_start3A_29, %dma_start3A_30] : memref<100x256xi32, #tpu.memory_space<vmem>> -> memref<50x256xi32, #tpu.memory_space<vmem>>
    %dma_start3A_32 = arith.constant 0 : i32
    %dma_start3A_33 = arith.constant 0 : i32
    %dma_start3A_34 = tpu.memref_slice %arg2[%add3A_21, %dma_start3A_32, %dma_start3A_33] : memref<64x50x256xi32, #tpu.memory_space<hbm>> -> memref<1x50x256xi32, #tpu.memory_space<hbm>>
    %dma_start3A_35 = tpu.memref_squeeze %dma_start3A_34 : memref<1x50x256xi32, #tpu.memory_space<hbm>> -> memref<50x256xi32, #tpu.memory_space<hbm>>
    tpu.enqueue_dma source(%dma_start3A_35 : memref<50x256xi32, #tpu.memory_space<hbm>>) target(%dma_start3A_31 : memref<50x256xi32, #tpu.memory_space<vmem>>) target_semaphore(%arg16 : memref<!tpu.dma_semaphore, #tpu.memory_space<semaphore_mem>>)
    %dma_wait3A = arith.constant 0 : i32
    %dma_wait3A_36 = arith.constant 0 : i32
    %dma_wait3A_37 = tpu.memref_slice %arg5[%dma_wait3A, %dma_wait3A_36] : memref<100x256xi32, #tpu.memory_space<vmem>> -> memref<50x256xi32, #tpu.memory_space<vmem>>
    %dma_wait3A_38 = arith.constant 0 : i32
    %dma_wait3A_39 = arith.constant 0 : i32
    %dma_wait3A_40 = tpu.memref_slice %arg2[%mul3A_4, %dma_wait3A_38, %dma_wait3A_39] : memref<64x50x256xi32, #tpu.memory_space<hbm>> -> memref<1x50x256xi32, #tpu.memory_space<hbm>>
    %dma_wait3A_41 = tpu.memref_squeeze %dma_wait3A_40 : memref<1x50x256xi32, #tpu.memory_space<hbm>> -> memref<50x256xi32, #tpu.memory_space<hbm>>
    %dma_wait3A_42 = arith.constant 0 : i32
    %dma_wait3A_43 = arith.constant 0 : i32
    %dma_wait3A_44 = tpu.memref_slice %arg5[%dma_wait3A_42, %dma_wait3A_43] : memref<100x256xi32, #tpu.memory_space<vmem>> -> memref<50x256xi32, #tpu.memory_space<vmem>>
    %dma_wait3A_45 = arith.constant 0 : i32
    %dma_wait3A_46 = arith.constant 0 : i32
    %dma_wait3A_47 = tpu.memref_slice %arg2[%mul3A_4, %dma_wait3A_45, %dma_wait3A_46] : memref<64x50x256xi32, #tpu.memory_space<hbm>> -> memref<1x50x256xi32, #tpu.memory_space<hbm>>
    %dma_wait3A_48 = tpu.memref_squeeze %dma_wait3A_47 : memref<1x50x256xi32, #tpu.memory_space<hbm>> -> memref<50x256xi32, #tpu.memory_space<hbm>>
    tpu.wait_dma2 semaphore(%arg15 : memref<!tpu.dma_semaphore, #tpu.memory_space<semaphore_mem>>) src(%dma_wait3A_48 : memref<50x256xi32, #tpu.memory_space<hbm>>) dst(%dma_wait3A_44 : memref<50x256xi32, #tpu.memory_space<vmem>>)
    %dma_start3A_49 = arith.constant 0 : i32
    %dma_start3A_50 = arith.constant 0 : i32
    %dma_start3A_51 = arith.constant 0 : i32
    %dma_start3A_52 = tpu.memref_slice %arg6[%dma_start3A_50, %dma_start3A_51] : memref<1024x32xf32, #tpu.memory_space<vmem>> -> memref<256x32xf32, #tpu.memory_space<vmem>>
    %dma_start3A_53 = arith.constant 0 : i32
    %dma_start3A_54 = tpu.memref_slice %arg5[%dma_start3A_49, %dma_start3A_53] : memref<100x256xi32, #tpu.memory_space<vmem>> -> memref<1x256xi32, #tpu.memory_space<vmem>>
    %dma_start3A_55 = tpu.memref_squeeze %dma_start3A_54 : memref<1x256xi32, #tpu.memory_space<vmem>> -> memref<256xi32, #tpu.memory_space<vmem>>
    %dma_start3A_56 = arith.constant 0 : i32
    %dma_start3A_57 = arith.constant 0 : i32
    %dma_start3A_58 = tpu.memref_slice %arg3[%dma_start3A_56, %dma_start3A_57] : memref<100000x32xf32, #tpu.memory_space<hbm>> -> memref<100000x32xf32, #tpu.memory_space<hbm>>
    tpu.enqueue_indirect_dma source(%dma_start3A_58 : memref<100000x32xf32, #tpu.memory_space<hbm>>) target(%dma_start3A_52 : memref<256x32xf32, #tpu.memory_space<vmem>>) offsets(%dma_start3A_55 : memref<256xi32, #tpu.memory_space<vmem>>) semaphore(%arg9 : memref<!tpu.dma_semaphore, #tpu.memory_space<semaphore_mem>>)
    %dma_start3A_59 = arith.constant 1 : i32
    %dma_start3A_60 = arith.constant 256 : i32
    %dma_start3A_61 = arith.constant 0 : i32
    %dma_start3A_62 = tpu.memref_slice %arg6[%dma_start3A_60, %dma_start3A_61] : memref<1024x32xf32, #tpu.memory_space<vmem>> -> memref<256x32xf32, #tpu.memory_space<vmem>>
    %dma_start3A_63 = arith.constant 0 : i32
    %dma_start3A_64 = tpu.memref_slice %arg5[%dma_start3A_59, %dma_start3A_63] : memref<100x256xi32, #tpu.memory_space<vmem>> -> memref<1x256xi32, #tpu.memory_space<vmem>>
    %dma_start3A_65 = tpu.memref_squeeze %dma_start3A_64 : memref<1x256xi32, #tpu.memory_space<vmem>> -> memref<256xi32, #tpu.memory_space<vmem>>
    %dma_start3A_66 = arith.constant 0 : i32
    %dma_start3A_67 = arith.constant 0 : i32
    %dma_start3A_68 = tpu.memref_slice %arg3[%dma_start3A_66, %dma_start3A_67] : memref<100000x32xf32, #tpu.memory_space<hbm>> -> memref<100000x32xf32, #tpu.memory_space<hbm>>
    tpu.enqueue_indirect_dma source(%dma_start3A_68 : memref<100000x32xf32, #tpu.memory_space<hbm>>) target(%dma_start3A_62 : memref<256x32xf32, #tpu.memory_space<vmem>>) offsets(%dma_start3A_65 : memref<256xi32, #tpu.memory_space<vmem>>) semaphore(%arg9 : memref<!tpu.dma_semaphore, #tpu.memory_space<semaphore_mem>>)
    %dma_start3A_69 = arith.constant 2 : i32
    %dma_start3A_70 = arith.constant 512 : i32
    %dma_start3A_71 = arith.constant 0 : i32
    %dma_start3A_72 = tpu.memref_slice %arg6[%dma_start3A_70, %dma_start3A_71] : memref<1024x32xf32, #tpu.memory_space<vmem>> -> memref<256x32xf32, #tpu.memory_space<vmem>>
    %dma_start3A_73 = arith.constant 0 : i32
    %dma_start3A_74 = tpu.memref_slice %arg5[%dma_start3A_69, %dma_start3A_73] : memref<100x256xi32, #tpu.memory_space<vmem>> -> memref<1x256xi32, #tpu.memory_space<vmem>>
    %dma_start3A_75 = tpu.memref_squeeze %dma_start3A_74 : memref<1x256xi32, #tpu.memory_space<vmem>> -> memref<256xi32, #tpu.memory_space<vmem>>
    %dma_start3A_76 = arith.constant 0 : i32
    %dma_start3A_77 = arith.constant 0 : i32
    %dma_start3A_78 = tpu.memref_slice %arg3[%dma_start3A_76, %dma_start3A_77] : memref<100000x32xf32, #tpu.memory_space<hbm>> -> memref<100000x32xf32, #tpu.memory_space<hbm>>
    tpu.enqueue_indirect_dma source(%dma_start3A_78 : memref<100000x32xf32, #tpu.memory_space<hbm>>) target(%dma_start3A_72 : memref<256x32xf32, #tpu.memory_space<vmem>>) offsets(%dma_start3A_75 : memref<256xi32, #tpu.memory_space<vmem>>) semaphore(%arg9 : memref<!tpu.dma_semaphore, #tpu.memory_space<semaphore_mem>>)
    %dma_start3A_79 = arith.constant 3 : i32
    %dma_start3A_80 = arith.constant 768 : i32
    %dma_start3A_81 = arith.constant 0 : i32
    %dma_start3A_82 = tpu.memref_slice %arg6[%dma_start3A_80, %dma_start3A_81] : memref<1024x32xf32, #tpu.memory_space<vmem>> -> memref<256x32xf32, #tpu.memory_space<vmem>>
    %dma_start3A_83 = arith.constant 0 : i32
    %dma_start3A_84 = tpu.memref_slice %arg5[%dma_start3A_79, %dma_start3A_83] : memref<100x256xi32, #tpu.memory_space<vmem>> -> memref<1x256xi32, #tpu.memory_space<vmem>>
    %dma_start3A_85 = tpu.memref_squeeze %dma_start3A_84 : memref<1x256xi32, #tpu.memory_space<vmem>> -> memref<256xi32, #tpu.memory_space<vmem>>
    %dma_start3A_86 = arith.constant 0 : i32
    %dma_start3A_87 = arith.constant 0 : i32
    %dma_start3A_88 = tpu.memref_slice %arg3[%dma_start3A_86, %dma_start3A_87] : memref<100000x32xf32, #tpu.memory_space<hbm>> -> memref<100000x32xf32, #tpu.memory_space<hbm>>
    tpu.enqueue_indirect_dma source(%dma_start3A_88 : memref<100000x32xf32, #tpu.memory_space<hbm>>) target(%dma_start3A_82 : memref<256x32xf32, #tpu.memory_space<vmem>>) offsets(%dma_start3A_85 : memref<256xi32, #tpu.memory_space<vmem>>) semaphore(%arg9 : memref<!tpu.dma_semaphore, #tpu.memory_space<semaphore_mem>>)
    %dma_start3A_89 = arith.constant 4 : i32
    %dma_start3A_90 = arith.constant 0 : i32
    %dma_start3A_91 = arith.constant 0 : i32
    %dma_start3A_92 = tpu.memref_slice %arg7[%dma_start3A_90, %dma_start3A_91] : memref<1024x32xf32, #tpu.memory_space<vmem>> -> memref<256x32xf32, #tpu.memory_space<vmem>>
    %dma_start3A_93 = arith.constant 0 : i32
    %dma_start3A_94 = tpu.memref_slice %arg5[%dma_start3A_89, %dma_start3A_93] : memref<100x256xi32, #tpu.memory_space<vmem>> -> memref<1x256xi32, #tpu.memory_space<vmem>>
    %dma_start3A_95 = tpu.memref_squeeze %dma_start3A_94 : memref<1x256xi32, #tpu.memory_space<vmem>> -> memref<256xi32, #tpu.memory_space<vmem>>
    %dma_start3A_96 = arith.constant 0 : i32
    %dma_start3A_97 = arith.constant 0 : i32
    %dma_start3A_98 = tpu.memref_slice %arg3[%dma_start3A_96, %dma_start3A_97] : memref<100000x32xf32, #tpu.memory_space<hbm>> -> memref<100000x32xf32, #tpu.memory_space<hbm>>
    tpu.enqueue_indirect_dma source(%dma_start3A_98 : memref<100000x32xf32, #tpu.memory_space<hbm>>) target(%dma_start3A_92 : memref<256x32xf32, #tpu.memory_space<vmem>>) offsets(%dma_start3A_95 : memref<256xi32, #tpu.memory_space<vmem>>) semaphore(%arg10 : memref<!tpu.dma_semaphore, #tpu.memory_space<semaphore_mem>>)
    %dma_start3A_99 = arith.constant 5 : i32
    %dma_start3A_100 = arith.constant 256 : i32
    %dma_start3A_101 = arith.constant 0 : i32
    %dma_start3A_102 = tpu.memref_slice %arg7[%dma_start3A_100, %dma_start3A_101] : memref<1024x32xf32, #tpu.memory_space<vmem>> -> memref<256x32xf32, #tpu.memory_space<vmem>>
    %dma_start3A_103 = arith.constant 0 : i32
    %dma_start3A_104 = tpu.memref_slice %arg5[%dma_start3A_99, %dma_start3A_103] : memref<100x256xi32, #tpu.memory_space<vmem>> -> memref<1x256xi32, #tpu.memory_space<vmem>>
    %dma_start3A_105 = tpu.memref_squeeze %dma_start3A_104 : memref<1x256xi32, #tpu.memory_space<vmem>> -> memref<256xi32, #tpu.memory_space<vmem>>
    %dma_start3A_106 = arith.constant 0 : i32
    %dma_start3A_107 = arith.constant 0 : i32
    %dma_start3A_108 = tpu.memref_slice %arg3[%dma_start3A_106, %dma_start3A_107] : memref<100000x32xf32, #tpu.memory_space<hbm>> -> memref<100000x32xf32, #tpu.memory_space<hbm>>
    tpu.enqueue_indirect_dma source(%dma_start3A_108 : memref<100000x32xf32, #tpu.memory_space<hbm>>) target(%dma_start3A_102 : memref<256x32xf32, #tpu.memory_space<vmem>>) offsets(%dma_start3A_105 : memref<256xi32, #tpu.memory_space<vmem>>) semaphore(%arg10 : memref<!tpu.dma_semaphore, #tpu.memory_space<semaphore_mem>>)
    %dma_start3A_109 = arith.constant 6 : i32
    %dma_start3A_110 = arith.constant 512 : i32
    %dma_start3A_111 = arith.constant 0 : i32
    %dma_start3A_112 = tpu.memref_slice %arg7[%dma_start3A_110, %dma_start3A_111] : memref<1024x32xf32, #tpu.memory_space<vmem>> -> memref<256x32xf32, #tpu.memory_space<vmem>>
    %dma_start3A_113 = arith.constant 0 : i32
    %dma_start3A_114 = tpu.memref_slice %arg5[%dma_start3A_109, %dma_start3A_113] : memref<100x256xi32, #tpu.memory_space<vmem>> -> memref<1x256xi32, #tpu.memory_space<vmem>>
    %dma_start3A_115 = tpu.memref_squeeze %dma_start3A_114 : memref<1x256xi32, #tpu.memory_space<vmem>> -> memref<256xi32, #tpu.memory_space<vmem>>
    %dma_start3A_116 = arith.constant 0 : i32
    %dma_start3A_117 = arith.constant 0 : i32
    %dma_start3A_118 = tpu.memref_slice %arg3[%dma_start3A_116, %dma_start3A_117] : memref<100000x32xf32, #tpu.memory_space<hbm>> -> memref<100000x32xf32, #tpu.memory_space<hbm>>
    tpu.enqueue_indirect_dma source(%dma_start3A_118 : memref<100000x32xf32, #tpu.memory_space<hbm>>) target(%dma_start3A_112 : memref<256x32xf32, #tpu.memory_space<vmem>>) offsets(%dma_start3A_115 : memref<256xi32, #tpu.memory_space<vmem>>) semaphore(%arg10 : memref<!tpu.dma_semaphore, #tpu.memory_space<semaphore_mem>>)
    %dma_start3A_119 = arith.constant 7 : i32
    %dma_start3A_120 = arith.constant 768 : i32
    %dma_start3A_121 = arith.constant 0 : i32
    %dma_start3A_122 = tpu.memref_slice %arg7[%dma_start3A_120, %dma_start3A_121] : memref<1024x32xf32, #tpu.memory_space<vmem>> -> memref<256x32xf32, #tpu.memory_space<vmem>>
    %dma_start3A_123 = arith.constant 0 : i32
    %dma_start3A_124 = tpu.memref_slice %arg5[%dma_start3A_119, %dma_start3A_123] : memref<100x256xi32, #tpu.memory_space<vmem>> -> memref<1x256xi32, #tpu.memory_space<vmem>>
    %dma_start3A_125 = tpu.memref_squeeze %dma_start3A_124 : memref<1x256xi32, #tpu.memory_space<vmem>> -> memref<256xi32, #tpu.memory_space<vmem>>
    %dma_start3A_126 = arith.constant 0 : i32
    %dma_start3A_127 = arith.constant 0 : i32
    %dma_start3A_128 = tpu.memref_slice %arg3[%dma_start3A_126, %dma_start3A_127] : memref<100000x32xf32, #tpu.memory_space<hbm>> -> memref<100000x32xf32, #tpu.memory_space<hbm>>
    tpu.enqueue_indirect_dma source(%dma_start3A_128 : memref<100000x32xf32, #tpu.memory_space<hbm>>) target(%dma_start3A_122 : memref<256x32xf32, #tpu.memory_space<vmem>>) offsets(%dma_start3A_125 : memref<256xi32, #tpu.memory_space<vmem>>) semaphore(%arg10 : memref<!tpu.dma_semaphore, #tpu.memory_space<semaphore_mem>>)
    %dma_wait3A_129 = arith.constant 50 : i32
    %dma_wait3A_130 = arith.constant 0 : i32
    %dma_wait3A_131 = tpu.memref_slice %arg5[%dma_wait3A_129, %dma_wait3A_130] : memref<100x256xi32, #tpu.memory_space<vmem>> -> memref<50x256xi32, #tpu.memory_space<vmem>>
    %dma_wait3A_132 = arith.constant 0 : i32
    %dma_wait3A_133 = arith.constant 0 : i32
    %dma_wait3A_134 = tpu.memref_slice %arg2[%add3A_21, %dma_wait3A_132, %dma_wait3A_133] : memref<64x50x256xi32, #tpu.memory_space<hbm>> -> memref<1x50x256xi32, #tpu.memory_space<hbm>>
    %dma_wait3A_135 = tpu.memref_squeeze %dma_wait3A_134 : memref<1x50x256xi32, #tpu.memory_space<hbm>> -> memref<50x256xi32, #tpu.memory_space<hbm>>
    %dma_wait3A_136 = arith.constant 50 : i32
    %dma_wait3A_137 = arith.constant 0 : i32
    %dma_wait3A_138 = tpu.memref_slice %arg5[%dma_wait3A_136, %dma_wait3A_137] : memref<100x256xi32, #tpu.memory_space<vmem>> -> memref<50x256xi32, #tpu.memory_space<vmem>>
    %dma_wait3A_139 = arith.constant 0 : i32
    %dma_wait3A_140 = arith.constant 0 : i32
    %dma_wait3A_141 = tpu.memref_slice %arg2[%add3A_21, %dma_wait3A_139, %dma_wait3A_140] : memref<64x50x256xi32, #tpu.memory_space<hbm>> -> memref<1x50x256xi32, #tpu.memory_space<hbm>>
    %dma_wait3A_142 = tpu.memref_squeeze %dma_wait3A_141 : memref<1x50x256xi32, #tpu.memory_space<hbm>> -> memref<50x256xi32, #tpu.memory_space<hbm>>
    tpu.wait_dma2 semaphore(%arg16 : memref<!tpu.dma_semaphore, #tpu.memory_space<semaphore_mem>>) src(%dma_wait3A_142 : memref<50x256xi32, #tpu.memory_space<hbm>>) dst(%dma_wait3A_138 : memref<50x256xi32, #tpu.memory_space<vmem>>)
    %dma_wait3A_143 = arith.constant 0 : i32
    %dma_wait3A_144 = arith.constant 0 : i32
    %dma_wait3A_145 = tpu.memref_slice %arg4[%dma_wait3A_143, %dma_wait3A_144] : memref<819200x32xf32, #tpu.memory_space<hbm>> -> memref<1024x32xf32, #tpu.memory_space<hbm>>
    %dma_wait3A_146 = arith.constant 0 : i32
    %dma_wait3A_147 = arith.constant 0 : i32
    %dma_wait3A_148 = tpu.memref_slice %arg4[%dma_wait3A_146, %dma_wait3A_147] : memref<819200x32xf32, #tpu.memory_space<hbm>> -> memref<1024x32xf32, #tpu.memory_space<hbm>>
    tpu.wait_dma2 semaphore(%arg9 : memref<!tpu.dma_semaphore, #tpu.memory_space<semaphore_mem>>) src(%dma_wait3A_148 : memref<1024x32xf32, #tpu.memory_space<hbm>>) dst(%arg6 : memref<1024x32xf32, #tpu.memory_space<vmem>>)
    %add3A_149 = arith.constant 0 : i32
    %add3A_150 = arith.addi %mul3A_2, %add3A_149 : i32
    %dma_start3A_151 = arith.constant 0 : i32
    %dma_start3A_152 = tpu.memref_slice %arg4[%add3A_150, %dma_start3A_151] : memref<819200x32xf32, #tpu.memory_space<hbm>> -> memref<1024x32xf32, #tpu.memory_space<hbm>>
    %dma_start3A_153 = arith.constant 0 : i32
    %dma_start3A_154 = tpu.memref_slice %arg4[%add3A_150, %dma_start3A_153] : memref<819200x32xf32, #tpu.memory_space<hbm>> -> memref<1024x32xf32, #tpu.memory_space<hbm>>
    tpu.enqueue_dma source(%arg6 : memref<1024x32xf32, #tpu.memory_space<vmem>>) target(%dma_start3A_154 : memref<1024x32xf32, #tpu.memory_space<hbm>>) target_semaphore(%arg12 : memref<!tpu.dma_semaphore, #tpu.memory_space<semaphore_mem>>)
    %dma_start3A_155 = arith.constant 8 : i32
    %dma_start3A_156 = arith.constant 0 : i32
    %dma_start3A_157 = arith.constant 0 : i32
    %dma_start3A_158 = tpu.memref_slice %arg8[%dma_start3A_156, %dma_start3A_157] : memref<1024x32xf32, #tpu.memory_space<vmem>> -> memref<256x32xf32, #tpu.memory_space<vmem>>
    %dma_start3A_159 = arith.constant 0 : i32
    %dma_start3A_160 = tpu.memref_slice %arg5[%dma_start3A_155, %dma_start3A_159] : memref<100x256xi32, #tpu.memory_space<vmem>> -> memref<1x256xi32, #tpu.memory_space<vmem>>
    %dma_start3A_161 = tpu.memref_squeeze %dma_start3A_160 : memref<1x256xi32, #tpu.memory_space<vmem>> -> memref<256xi32, #tpu.memory_space<vmem>>
    %dma_start3A_162 = arith.constant 0 : i32
    %dma_start3A_163 = arith.constant 0 : i32
    %dma_start3A_164 = tpu.memref_slice %arg3[%dma_start3A_162, %dma_start3A_163] : memref<100000x32xf32, #tpu.memory_space<hbm>> -> memref<100000x32xf32, #tpu.memory_space<hbm>>
    tpu.enqueue_indirect_dma source(%dma_start3A_164 : memref<100000x32xf32, #tpu.memory_space<hbm>>) target(%dma_start3A_158 : memref<256x32xf32, #tpu.memory_space<vmem>>) offsets(%dma_start3A_161 : memref<256xi32, #tpu.memory_space<vmem>>) semaphore(%arg11 : memref<!tpu.dma_semaphore, #tpu.memory_space<semaphore_mem>>)
    %dma_start3A_165 = arith.constant 9 : i32
    %dma_start3A_166 = arith.constant 256 : i32
    %dma_start3A_167 = arith.constant 0 : i32
    %dma_start3A_168 = tpu.memref_slice %arg8[%dma_start3A_166, %dma_start3A_167] : memref<1024x32xf32, #tpu.memory_space<vmem>> -> memref<256x32xf32, #tpu.memory_space<vmem>>
    %dma_start3A_169 = arith.constant 0 : i32
    %dma_start3A_170 = tpu.memref_slice %arg5[%dma_start3A_165, %dma_start3A_169] : memref<100x256xi32, #tpu.memory_space<vmem>> -> memref<1x256xi32, #tpu.memory_space<vmem>>
    %dma_start3A_171 = tpu.memref_squeeze %dma_start3A_170 : memref<1x256xi32, #tpu.memory_space<vmem>> -> memref<256xi32, #tpu.memory_space<vmem>>
    %dma_start3A_172 = arith.constant 0 : i32
    %dma_start3A_173 = arith.constant 0 : i32
    %dma_start3A_174 = tpu.memref_slice %arg3[%dma_start3A_172, %dma_start3A_173] : memref<100000x32xf32, #tpu.memory_space<hbm>> -> memref<100000x32xf32, #tpu.memory_space<hbm>>
    tpu.enqueue_indirect_dma source(%dma_start3A_174 : memref<100000x32xf32, #tpu.memory_space<hbm>>) target(%dma_start3A_168 : memref<256x32xf32, #tpu.memory_space<vmem>>) offsets(%dma_start3A_171 : memref<256xi32, #tpu.memory_space<vmem>>) semaphore(%arg11 : memref<!tpu.dma_semaphore, #tpu.memory_space<semaphore_mem>>)
    %dma_start3A_175 = arith.constant 10 : i32
    %dma_start3A_176 = arith.constant 512 : i32
    %dma_start3A_177 = arith.constant 0 : i32
    %dma_start3A_178 = tpu.memref_slice %arg8[%dma_start3A_176, %dma_start3A_177] : memref<1024x32xf32, #tpu.memory_space<vmem>> -> memref<256x32xf32, #tpu.memory_space<vmem>>
    %dma_start3A_179 = arith.constant 0 : i32
    %dma_start3A_180 = tpu.memref_slice %arg5[%dma_start3A_175, %dma_start3A_179] : memref<100x256xi32, #tpu.memory_space<vmem>> -> memref<1x256xi32, #tpu.memory_space<vmem>>
    %dma_start3A_181 = tpu.memref_squeeze %dma_start3A_180 : memref<1x256xi32, #tpu.memory_space<vmem>> -> memref<256xi32, #tpu.memory_space<vmem>>
    %dma_start3A_182 = arith.constant 0 : i32
    %dma_start3A_183 = arith.constant 0 : i32
    %dma_start3A_184 = tpu.memref_slice %arg3[%dma_start3A_182, %dma_start3A_183] : memref<100000x32xf32, #tpu.memory_space<hbm>> -> memref<100000x32xf32, #tpu.memory_space<hbm>>
    tpu.enqueue_indirect_dma source(%dma_start3A_184 : memref<100000x32xf32, #tpu.memory_space<hbm>>) target(%dma_start3A_178 : memref<256x32xf32, #tpu.memory_space<vmem>>) offsets(%dma_start3A_181 : memref<256xi32, #tpu.memory_space<vmem>>) semaphore(%arg11 : memref<!tpu.dma_semaphore, #tpu.memory_space<semaphore_mem>>)
    %dma_start3A_185 = arith.constant 11 : i32
    %dma_start3A_186 = arith.constant 768 : i32
    %dma_start3A_187 = arith.constant 0 : i32
    %dma_start3A_188 = tpu.memref_slice %arg8[%dma_start3A_186, %dma_start3A_187] : memref<1024x32xf32, #tpu.memory_space<vmem>> -> memref<256x32xf32, #tpu.memory_space<vmem>>
    %dma_start3A_189 = arith.constant 0 : i32
    %dma_start3A_190 = tpu.memref_slice %arg5[%dma_start3A_185, %dma_start3A_189] : memref<100x256xi32, #tpu.memory_space<vmem>> -> memref<1x256xi32, #tpu.memory_space<vmem>>
    %dma_start3A_191 = tpu.memref_squeeze %dma_start3A_190 : memref<1x256xi32, #tpu.memory_space<vmem>> -> memref<256xi32, #tpu.memory_space<vmem>>
    %dma_start3A_192 = arith.constant 0 : i32
    %dma_start3A_193 = arith.constant 0 : i32
    %dma_start3A_194 = tpu.memref_slice %arg3[%dma_start3A_192, %dma_start3A_193] : memref<100000x32xf32, #tpu.memory_space<hbm>> -> memref<100000x32xf32, #tpu.memory_space<hbm>>
    tpu.enqueue_indirect_dma source(%dma_start3A_194 : memref<100000x32xf32, #tpu.memory_space<hbm>>) target(%dma_start3A_188 : memref<256x32xf32, #tpu.memory_space<vmem>>) offsets(%dma_start3A_191 : memref<256xi32, #tpu.memory_space<vmem>>) semaphore(%arg11 : memref<!tpu.dma_semaphore, #tpu.memory_space<semaphore_mem>>)
    %scan3A = arith.constant 0 : i32
    %scan3A_195 = arith.constant 7 : i32
    %scan3A_196 = arith.addi %scan3A, %scan3A_195 : i32
    %scan3A_197 = arith.constant 1 : i32
    scf.for %scan3A_299 = %scan3A to %scan3A_196 step %scan3A_197  : i32 {
      %mul3A_300 = arith.constant 1 : i32
      %mul3A_301 = arith.muli %scan3A_299, %mul3A_300 : i32
      %add3A_302 = arith.constant 0 : i32
      %add3A_303 = arith.addi %add3A_302, %mul3A_301 : i32
      %mul3A_304 = arith.constant 3 : i32
      %mul3A_305 = arith.muli %mul3A_304, %add3A_303 : i32
      %add3A_306 = arith.constant 1 : i32
      %add3A_307 = arith.addi %add3A_306, %mul3A_305 : i32
      %add3A_308 = arith.constant 0 : i32
      %add3A_309 = arith.addi %add3A_307, %add3A_308 : i32
      %dma_wait3A_310 = arith.constant 0 : i32
      %dma_wait3A_311 = arith.constant 0 : i32
      %dma_wait3A_312 = tpu.memref_slice %arg4[%dma_wait3A_310, %dma_wait3A_311] : memref<819200x32xf32, #tpu.memory_space<hbm>> -> memref<1024x32xf32, #tpu.memory_space<hbm>>
      %dma_wait3A_313 = arith.constant 0 : i32
      %dma_wait3A_314 = arith.constant 0 : i32
      %dma_wait3A_315 = tpu.memref_slice %arg4[%dma_wait3A_313, %dma_wait3A_314] : memref<819200x32xf32, #tpu.memory_space<hbm>> -> memref<1024x32xf32, #tpu.memory_space<hbm>>
      tpu.wait_dma2 semaphore(%arg10 : memref<!tpu.dma_semaphore, #tpu.memory_space<semaphore_mem>>) src(%dma_wait3A_315 : memref<1024x32xf32, #tpu.memory_space<hbm>>) dst(%arg7 : memref<1024x32xf32, #tpu.memory_space<vmem>>)
      %mul3A_316 = arith.constant 1024 : i32
      %mul3A_317 = arith.muli %add3A_309, %mul3A_316 : i32
      %add3A_318 = arith.addi %mul3A_2, %mul3A_317 : i32
      %dma_start3A_319 = arith.constant 0 : i32
      %dma_start3A_320 = tpu.memref_slice %arg4[%add3A_318, %dma_start3A_319] : memref<819200x32xf32, #tpu.memory_space<hbm>> -> memref<1024x32xf32, #tpu.memory_space<hbm>>
      %dma_start3A_321 = arith.constant 0 : i32
      %dma_start3A_322 = tpu.memref_slice %arg4[%add3A_318, %dma_start3A_321] : memref<819200x32xf32, #tpu.memory_space<hbm>> -> memref<1024x32xf32, #tpu.memory_space<hbm>>
      tpu.enqueue_dma source(%arg7 : memref<1024x32xf32, #tpu.memory_space<vmem>>) target(%dma_start3A_322 : memref<1024x32xf32, #tpu.memory_space<hbm>>) target_semaphore(%arg13 : memref<!tpu.dma_semaphore, #tpu.memory_space<semaphore_mem>>)
      %dma_wait3A_323 = arith.constant 0 : i32
      %dma_wait3A_324 = arith.constant 0 : i32
      %dma_wait3A_325 = tpu.memref_slice %arg4[%dma_wait3A_323, %dma_wait3A_324] : memref<819200x32xf32, #tpu.memory_space<hbm>> -> memref<1024x32xf32, #tpu.memory_space<hbm>>
      %dma_wait3A_326 = arith.constant 0 : i32
      %dma_wait3A_327 = arith.constant 0 : i32
      %dma_wait3A_328 = tpu.memref_slice %arg4[%dma_wait3A_326, %dma_wait3A_327] : memref<819200x32xf32, #tpu.memory_space<hbm>> -> memref<1024x32xf32, #tpu.memory_space<hbm>>
      tpu.wait_dma2 semaphore(%arg12 : memref<!tpu.dma_semaphore, #tpu.memory_space<semaphore_mem>>) src(%arg6 : memref<1024x32xf32, #tpu.memory_space<vmem>>) dst(%dma_wait3A_328 : memref<1024x32xf32, #tpu.memory_space<hbm>>)
      %add3A_329 = arith.constant 2 : i32
      %add3A_330 = arith.addi %add3A_309, %add3A_329 : i32
      %mul3A_331 = arith.constant 4 : i32
      %mul3A_332 = arith.muli %add3A_330, %mul3A_331 : i32
      %add3A_333 = arith.constant 0 : i32
      %add3A_334 = arith.addi %mul3A_332, %add3A_333 : i32
      %dma_start3A_335 = arith.constant 0 : i32
      %dma_start3A_336 = arith.constant 0 : i32
      %dma_start3A_337 = tpu.memref_slice %arg6[%dma_start3A_335, %dma_start3A_336] : memref<1024x32xf32, #tpu.memory_space<vmem>> -> memref<256x32xf32, #tpu.memory_space<vmem>>
      %dma_start3A_338 = arith.constant 0 : i32
      %dma_start3A_339 = tpu.memref_slice %arg5[%add3A_334, %dma_start3A_338] : memref<100x256xi32, #tpu.memory_space<vmem>> -> memref<1x256xi32, #tpu.memory_space<vmem>>
      %dma_start3A_340 = tpu.memref_squeeze %dma_start3A_339 : memref<1x256xi32, #tpu.memory_space<vmem>> -> memref<256xi32, #tpu.memory_space<vmem>>
      %dma_start3A_341 = arith.constant 0 : i32
      %dma_start3A_342 = arith.constant 0 : i32
      %dma_start3A_343 = tpu.memref_slice %arg3[%dma_start3A_341, %dma_start3A_342] : memref<100000x32xf32, #tpu.memory_space<hbm>> -> memref<100000x32xf32, #tpu.memory_space<hbm>>
      tpu.enqueue_indirect_dma source(%dma_start3A_343 : memref<100000x32xf32, #tpu.memory_space<hbm>>) target(%dma_start3A_337 : memref<256x32xf32, #tpu.memory_space<vmem>>) offsets(%dma_start3A_340 : memref<256xi32, #tpu.memory_space<vmem>>) semaphore(%arg9 : memref<!tpu.dma_semaphore, #tpu.memory_space<semaphore_mem>>)
      %mul3A_344 = arith.constant 4 : i32
      %mul3A_345 = arith.muli %add3A_330, %mul3A_344 : i32
      %add3A_346 = arith.constant 1 : i32
      %add3A_347 = arith.addi %mul3A_345, %add3A_346 : i32
      %dma_start3A_348 = arith.constant 256 : i32
      %dma_start3A_349 = arith.constant 0 : i32
      %dma_start3A_350 = tpu.memref_slice %arg6[%dma_start3A_348, %dma_start3A_349] : memref<1024x32xf32, #tpu.memory_space<vmem>> -> memref<256x32xf32, #tpu.memory_space<vmem>>
      %dma_start3A_351 = arith.constant 0 : i32
      %dma_start3A_352 = tpu.memref_slice %arg5[%add3A_347, %dma_start3A_351] : memref<100x256xi32, #tpu.memory_space<vmem>> -> memref<1x256xi32, #tpu.memory_space<vmem>>
      %dma_start3A_353 = tpu.memref_squeeze %dma_start3A_352 : memref<1x256xi32, #tpu.memory_space<vmem>> -> memref<256xi32, #tpu.memory_space<vmem>>
      %dma_start3A_354 = arith.constant 0 : i32
      %dma_start3A_355 = arith.constant 0 : i32
      %dma_start3A_356 = tpu.memref_slice %arg3[%dma_start3A_354, %dma_start3A_355] : memref<100000x32xf32, #tpu.memory_space<hbm>> -> memref<100000x32xf32, #tpu.memory_space<hbm>>
      tpu.enqueue_indirect_dma source(%dma_start3A_356 : memref<100000x32xf32, #tpu.memory_space<hbm>>) target(%dma_start3A_350 : memref<256x32xf32, #tpu.memory_space<vmem>>) offsets(%dma_start3A_353 : memref<256xi32, #tpu.memory_space<vmem>>) semaphore(%arg9 : memref<!tpu.dma_semaphore, #tpu.memory_space<semaphore_mem>>)
      %mul3A_357 = arith.constant 4 : i32
      %mul3A_358 = arith.muli %add3A_330, %mul3A_357 : i32
      %add3A_359 = arith.constant 2 : i32
      %add3A_360 = arith.addi %mul3A_358, %add3A_359 : i32
      %dma_start3A_361 = arith.constant 512 : i32
      %dma_start3A_362 = arith.constant 0 : i32
      %dma_start3A_363 = tpu.memref_slice %arg6[%dma_start3A_361, %dma_start3A_362] : memref<1024x32xf32, #tpu.memory_space<vmem>> -> memref<256x32xf32, #tpu.memory_space<vmem>>
      %dma_start3A_364 = arith.constant 0 : i32
      %dma_start3A_365 = tpu.memref_slice %arg5[%add3A_360, %dma_start3A_364] : memref<100x256xi32, #tpu.memory_space<vmem>> -> memref<1x256xi32, #tpu.memory_space<vmem>>
      %dma_start3A_366 = tpu.memref_squeeze %dma_start3A_365 : memref<1x256xi32, #tpu.memory_space<vmem>> -> memref<256xi32, #tpu.memory_space<vmem>>
      %dma_start3A_367 = arith.constant 0 : i32
      %dma_start3A_368 = arith.constant 0 : i32
      %dma_start3A_369 = tpu.memref_slice %arg3[%dma_start3A_367, %dma_start3A_368] : memref<100000x32xf32, #tpu.memory_space<hbm>> -> memref<100000x32xf32, #tpu.memory_space<hbm>>
      tpu.enqueue_indirect_dma source(%dma_start3A_369 : memref<100000x32xf32, #tpu.memory_space<hbm>>) target(%dma_start3A_363 : memref<256x32xf32, #tpu.memory_space<vmem>>) offsets(%dma_start3A_366 : memref<256xi32, #tpu.memory_space<vmem>>) semaphore(%arg9 : memref<!tpu.dma_semaphore, #tpu.memory_space<semaphore_mem>>)
      %mul3A_370 = arith.constant 4 : i32
      %mul3A_371 = arith.muli %add3A_330, %mul3A_370 : i32
      %add3A_372 = arith.constant 3 : i32
      %add3A_373 = arith.addi %mul3A_371, %add3A_372 : i32
      %dma_start3A_374 = arith.constant 768 : i32
      %dma_start3A_375 = arith.constant 0 : i32
      %dma_start3A_376 = tpu.memref_slice %arg6[%dma_start3A_374, %dma_start3A_375] : memref<1024x32xf32, #tpu.memory_space<vmem>> -> memref<256x32xf32, #tpu.memory_space<vmem>>
      %dma_start3A_377 = arith.constant 0 : i32
      %dma_start3A_378 = tpu.memref_slice %arg5[%add3A_373, %dma_start3A_377] : memref<100x256xi32, #tpu.memory_space<vmem>> -> memref<1x256xi32, #tpu.memory_space<vmem>>
      %dma_start3A_379 = tpu.memref_squeeze %dma_start3A_378 : memref<1x256xi32, #tpu.memory_space<vmem>> -> memref<256xi32, #tpu.memory_space<vmem>>
      %dma_start3A_380 = arith.constant 0 : i32
      %dma_start3A_381 = arith.constant 0 : i32
      %dma_start3A_382 = tpu.memref_slice %arg3[%dma_start3A_380, %dma_start3A_381] : memref<100000x32xf32, #tpu.memory_space<hbm>> -> memref<100000x32xf32, #tpu.memory_space<hbm>>
      tpu.enqueue_indirect_dma source(%dma_start3A_382 : memref<100000x32xf32, #tpu.memory_space<hbm>>) target(%dma_start3A_376 : memref<256x32xf32, #tpu.memory_space<vmem>>) offsets(%dma_start3A_379 : memref<256xi32, #tpu.memory_space<vmem>>) semaphore(%arg9 : memref<!tpu.dma_semaphore, #tpu.memory_space<semaphore_mem>>)
      %mul3A_383 = arith.constant 3 : i32
      %mul3A_384 = arith.muli %mul3A_383, %add3A_303 : i32
      %add3A_385 = arith.constant 1 : i32
      %add3A_386 = arith.addi %add3A_385, %mul3A_384 : i32
      %add3A_387 = arith.constant 1 : i32
      %add3A_388 = arith.addi %add3A_386, %add3A_387 : i32
      %dma_wait3A_389 = arith.constant 0 : i32
      %dma_wait3A_390 = arith.constant 0 : i32
      %dma_wait3A_391 = tpu.memref_slice %arg4[%dma_wait3A_389, %dma_wait3A_390] : memref<819200x32xf32, #tpu.memory_space<hbm>> -> memref<1024x32xf32, #tpu.memory_space<hbm>>
      %dma_wait3A_392 = arith.constant 0 : i32
      %dma_wait3A_393 = arith.constant 0 : i32
      %dma_wait3A_394 = tpu.memref_slice %arg4[%dma_wait3A_392, %dma_wait3A_393] : memref<819200x32xf32, #tpu.memory_space<hbm>> -> memref<1024x32xf32, #tpu.memory_space<hbm>>
      tpu.wait_dma2 semaphore(%arg11 : memref<!tpu.dma_semaphore, #tpu.memory_space<semaphore_mem>>) src(%dma_wait3A_394 : memref<1024x32xf32, #tpu.memory_space<hbm>>) dst(%arg8 : memref<1024x32xf32, #tpu.memory_space<vmem>>)
      %mul3A_395 = arith.constant 1024 : i32
      %mul3A_396 = arith.muli %add3A_388, %mul3A_395 : i32
      %add3A_397 = arith.addi %mul3A_2, %mul3A_396 : i32
      %dma_start3A_398 = arith.constant 0 : i32
      %dma_start3A_399 = tpu.memref_slice %arg4[%add3A_397, %dma_start3A_398] : memref<819200x32xf32, #tpu.memory_space<hbm>> -> memref<1024x32xf32, #tpu.memory_space<hbm>>
      %dma_start3A_400 = arith.constant 0 : i32
      %dma_start3A_401 = tpu.memref_slice %arg4[%add3A_397, %dma_start3A_400] : memref<819200x32xf32, #tpu.memory_space<hbm>> -> memref<1024x32xf32, #tpu.memory_space<hbm>>
      tpu.enqueue_dma source(%arg8 : memref<1024x32xf32, #tpu.memory_space<vmem>>) target(%dma_start3A_401 : memref<1024x32xf32, #tpu.memory_space<hbm>>) target_semaphore(%arg14 : memref<!tpu.dma_semaphore, #tpu.memory_space<semaphore_mem>>)
      %dma_wait3A_402 = arith.constant 0 : i32
      %dma_wait3A_403 = arith.constant 0 : i32
      %dma_wait3A_404 = tpu.memref_slice %arg4[%dma_wait3A_402, %dma_wait3A_403] : memref<819200x32xf32, #tpu.memory_space<hbm>> -> memref<1024x32xf32, #tpu.memory_space<hbm>>
      %dma_wait3A_405 = arith.constant 0 : i32
      %dma_wait3A_406 = arith.constant 0 : i32
      %dma_wait3A_407 = tpu.memref_slice %arg4[%dma_wait3A_405, %dma_wait3A_406] : memref<819200x32xf32, #tpu.memory_space<hbm>> -> memref<1024x32xf32, #tpu.memory_space<hbm>>
      tpu.wait_dma2 semaphore(%arg13 : memref<!tpu.dma_semaphore, #tpu.memory_space<semaphore_mem>>) src(%arg7 : memref<1024x32xf32, #tpu.memory_space<vmem>>) dst(%dma_wait3A_407 : memref<1024x32xf32, #tpu.memory_space<hbm>>)
      %add3A_408 = arith.constant 2 : i32
      %add3A_409 = arith.addi %add3A_388, %add3A_408 : i32
      %mul3A_410 = arith.constant 4 : i32
      %mul3A_411 = arith.muli %add3A_409, %mul3A_410 : i32
      %add3A_412 = arith.constant 0 : i32
      %add3A_413 = arith.addi %mul3A_411, %add3A_412 : i32
      %dma_start3A_414 = arith.constant 0 : i32
      %dma_start3A_415 = arith.constant 0 : i32
      %dma_start3A_416 = tpu.memref_slice %arg7[%dma_start3A_414, %dma_start3A_415] : memref<1024x32xf32, #tpu.memory_space<vmem>> -> memref<256x32xf32, #tpu.memory_space<vmem>>
      %dma_start3A_417 = arith.constant 0 : i32
      %dma_start3A_418 = tpu.memref_slice %arg5[%add3A_413, %dma_start3A_417] : memref<100x256xi32, #tpu.memory_space<vmem>> -> memref<1x256xi32, #tpu.memory_space<vmem>>
      %dma_start3A_419 = tpu.memref_squeeze %dma_start3A_418 : memref<1x256xi32, #tpu.memory_space<vmem>> -> memref<256xi32, #tpu.memory_space<vmem>>
      %dma_start3A_420 = arith.constant 0 : i32
      %dma_start3A_421 = arith.constant 0 : i32
      %dma_start3A_422 = tpu.memref_slice %arg3[%dma_start3A_420, %dma_start3A_421] : memref<100000x32xf32, #tpu.memory_space<hbm>> -> memref<100000x32xf32, #tpu.memory_space<hbm>>
      tpu.enqueue_indirect_dma source(%dma_start3A_422 : memref<100000x32xf32, #tpu.memory_space<hbm>>) target(%dma_start3A_416 : memref<256x32xf32, #tpu.memory_space<vmem>>) offsets(%dma_start3A_419 : memref<256xi32, #tpu.memory_space<vmem>>) semaphore(%arg10 : memref<!tpu.dma_semaphore, #tpu.memory_space<semaphore_mem>>)
      %mul3A_423 = arith.constant 4 : i32
      %mul3A_424 = arith.muli %add3A_409, %mul3A_423 : i32
      %add3A_425 = arith.constant 1 : i32
      %add3A_426 = arith.addi %mul3A_424, %add3A_425 : i32
      %dma_start3A_427 = arith.constant 256 : i32
      %dma_start3A_428 = arith.constant 0 : i32
      %dma_start3A_429 = tpu.memref_slice %arg7[%dma_start3A_427, %dma_start3A_428] : memref<1024x32xf32, #tpu.memory_space<vmem>> -> memref<256x32xf32, #tpu.memory_space<vmem>>
      %dma_start3A_430 = arith.constant 0 : i32
      %dma_start3A_431 = tpu.memref_slice %arg5[%add3A_426, %dma_start3A_430] : memref<100x256xi32, #tpu.memory_space<vmem>> -> memref<1x256xi32, #tpu.memory_space<vmem>>
      %dma_start3A_432 = tpu.memref_squeeze %dma_start3A_431 : memref<1x256xi32, #tpu.memory_space<vmem>> -> memref<256xi32, #tpu.memory_space<vmem>>
      %dma_start3A_433 = arith.constant 0 : i32
      %dma_start3A_434 = arith.constant 0 : i32
      %dma_start3A_435 = tpu.memref_slice %arg3[%dma_start3A_433, %dma_start3A_434] : memref<100000x32xf32, #tpu.memory_space<hbm>> -> memref<100000x32xf32, #tpu.memory_space<hbm>>
      tpu.enqueue_indirect_dma source(%dma_start3A_435 : memref<100000x32xf32, #tpu.memory_space<hbm>>) target(%dma_start3A_429 : memref<256x32xf32, #tpu.memory_space<vmem>>) offsets(%dma_start3A_432 : memref<256xi32, #tpu.memory_space<vmem>>) semaphore(%arg10 : memref<!tpu.dma_semaphore, #tpu.memory_space<semaphore_mem>>)
      %mul3A_436 = arith.constant 4 : i32
      %mul3A_437 = arith.muli %add3A_409, %mul3A_436 : i32
      %add3A_438 = arith.constant 2 : i32
      %add3A_439 = arith.addi %mul3A_437, %add3A_438 : i32
      %dma_start3A_440 = arith.constant 512 : i32
      %dma_start3A_441 = arith.constant 0 : i32
      %dma_start3A_442 = tpu.memref_slice %arg7[%dma_start3A_440, %dma_start3A_441] : memref<1024x32xf32, #tpu.memory_space<vmem>> -> memref<256x32xf32, #tpu.memory_space<vmem>>
      %dma_start3A_443 = arith.constant 0 : i32
      %dma_start3A_444 = tpu.memref_slice %arg5[%add3A_439, %dma_start3A_443] : memref<100x256xi32, #tpu.memory_space<vmem>> -> memref<1x256xi32, #tpu.memory_space<vmem>>
      %dma_start3A_445 = tpu.memref_squeeze %dma_start3A_444 : memref<1x256xi32, #tpu.memory_space<vmem>> -> memref<256xi32, #tpu.memory_space<vmem>>
      %dma_start3A_446 = arith.constant 0 : i32
      %dma_start3A_447 = arith.constant 0 : i32
      %dma_start3A_448 = tpu.memref_slice %arg3[%dma_start3A_446, %dma_start3A_447] : memref<100000x32xf32, #tpu.memory_space<hbm>> -> memref<100000x32xf32, #tpu.memory_space<hbm>>
      tpu.enqueue_indirect_dma source(%dma_start3A_448 : memref<100000x32xf32, #tpu.memory_space<hbm>>) target(%dma_start3A_442 : memref<256x32xf32, #tpu.memory_space<vmem>>) offsets(%dma_start3A_445 : memref<256xi32, #tpu.memory_space<vmem>>) semaphore(%arg10 : memref<!tpu.dma_semaphore, #tpu.memory_space<semaphore_mem>>)
      %mul3A_449 = arith.constant 4 : i32
      %mul3A_450 = arith.muli %add3A_409, %mul3A_449 : i32
      %add3A_451 = arith.constant 3 : i32
      %add3A_452 = arith.addi %mul3A_450, %add3A_451 : i32
      %dma_start3A_453 = arith.constant 768 : i32
      %dma_start3A_454 = arith.constant 0 : i32
      %dma_start3A_455 = tpu.memref_slice %arg7[%dma_start3A_453, %dma_start3A_454] : memref<1024x32xf32, #tpu.memory_space<vmem>> -> memref<256x32xf32, #tpu.memory_space<vmem>>
      %dma_start3A_456 = arith.constant 0 : i32
      %dma_start3A_457 = tpu.memref_slice %arg5[%add3A_452, %dma_start3A_456] : memref<100x256xi32, #tpu.memory_space<vmem>> -> memref<1x256xi32, #tpu.memory_space<vmem>>
      %dma_start3A_458 = tpu.memref_squeeze %dma_start3A_457 : memref<1x256xi32, #tpu.memory_space<vmem>> -> memref<256xi32, #tpu.memory_space<vmem>>
      %dma_start3A_459 = arith.constant 0 : i32
      %dma_start3A_460 = arith.constant 0 : i32
      %dma_start3A_461 = tpu.memref_slice %arg3[%dma_start3A_459, %dma_start3A_460] : memref<100000x32xf32, #tpu.memory_space<hbm>> -> memref<100000x32xf32, #tpu.memory_space<hbm>>
      tpu.enqueue_indirect_dma source(%dma_start3A_461 : memref<100000x32xf32, #tpu.memory_space<hbm>>) target(%dma_start3A_455 : memref<256x32xf32, #tpu.memory_space<vmem>>) offsets(%dma_start3A_458 : memref<256xi32, #tpu.memory_space<vmem>>) semaphore(%arg10 : memref<!tpu.dma_semaphore, #tpu.memory_space<semaphore_mem>>)
      %mul3A_462 = arith.constant 3 : i32
      %mul3A_463 = arith.muli %mul3A_462, %add3A_303 : i32
      %add3A_464 = arith.constant 1 : i32
      %add3A_465 = arith.addi %add3A_464, %mul3A_463 : i32
      %add3A_466 = arith.constant 2 : i32
      %add3A_467 = arith.addi %add3A_465, %add3A_466 : i32
      %dma_wait3A_468 = arith.constant 0 : i32
      %dma_wait3A_469 = arith.constant 0 : i32
      %dma_wait3A_470 = tpu.memref_slice %arg4[%dma_wait3A_468, %dma_wait3A_469] : memref<819200x32xf32, #tpu.memory_space<hbm>> -> memref<1024x32xf32, #tpu.memory_space<hbm>>
      %dma_wait3A_471 = arith.constant 0 : i32
      %dma_wait3A_472 = arith.constant 0 : i32
      %dma_wait3A_473 = tpu.memref_slice %arg4[%dma_wait3A_471, %dma_wait3A_472] : memref<819200x32xf32, #tpu.memory_space<hbm>> -> memref<1024x32xf32, #tpu.memory_space<hbm>>
      tpu.wait_dma2 semaphore(%arg9 : memref<!tpu.dma_semaphore, #tpu.memory_space<semaphore_mem>>) src(%dma_wait3A_473 : memref<1024x32xf32, #tpu.memory_space<hbm>>) dst(%arg6 : memref<1024x32xf32, #tpu.memory_space<vmem>>)
      %mul3A_474 = arith.constant 1024 : i32
      %mul3A_475 = arith.muli %add3A_467, %mul3A_474 : i32
      %add3A_476 = arith.addi %mul3A_2, %mul3A_475 : i32
      %dma_start3A_477 = arith.constant 0 : i32
      %dma_start3A_478 = tpu.memref_slice %arg4[%add3A_476, %dma_start3A_477] : memref<819200x32xf32, #tpu.memory_space<hbm>> -> memref<1024x32xf32, #tpu.memory_space<hbm>>
      %dma_start3A_479 = arith.constant 0 : i32
      %dma_start3A_480 = tpu.memref_slice %arg4[%add3A_476, %dma_start3A_479] : memref<819200x32xf32, #tpu.memory_space<hbm>> -> memref<1024x32xf32, #tpu.memory_space<hbm>>
      tpu.enqueue_dma source(%arg6 : memref<1024x32xf32, #tpu.memory_space<vmem>>) target(%dma_start3A_480 : memref<1024x32xf32, #tpu.memory_space<hbm>>) target_semaphore(%arg12 : memref<!tpu.dma_semaphore, #tpu.memory_space<semaphore_mem>>)
      %dma_wait3A_481 = arith.constant 0 : i32
      %dma_wait3A_482 = arith.constant 0 : i32
      %dma_wait3A_483 = tpu.memref_slice %arg4[%dma_wait3A_481, %dma_wait3A_482] : memref<819200x32xf32, #tpu.memory_space<hbm>> -> memref<1024x32xf32, #tpu.memory_space<hbm>>
      %dma_wait3A_484 = arith.constant 0 : i32
      %dma_wait3A_485 = arith.constant 0 : i32
      %dma_wait3A_486 = tpu.memref_slice %arg4[%dma_wait3A_484, %dma_wait3A_485] : memref<819200x32xf32, #tpu.memory_space<hbm>> -> memref<1024x32xf32, #tpu.memory_space<hbm>>
      tpu.wait_dma2 semaphore(%arg14 : memref<!tpu.dma_semaphore, #tpu.memory_space<semaphore_mem>>) src(%arg8 : memref<1024x32xf32, #tpu.memory_space<vmem>>) dst(%dma_wait3A_486 : memref<1024x32xf32, #tpu.memory_space<hbm>>)
      %add3A_487 = arith.constant 2 : i32
      %add3A_488 = arith.addi %add3A_467, %add3A_487 : i32
      %mul3A_489 = arith.constant 4 : i32
      %mul3A_490 = arith.muli %add3A_488, %mul3A_489 : i32
      %add3A_491 = arith.constant 0 : i32
      %add3A_492 = arith.addi %mul3A_490, %add3A_491 : i32
      %dma_start3A_493 = arith.constant 0 : i32
      %dma_start3A_494 = arith.constant 0 : i32
      %dma_start3A_495 = tpu.memref_slice %arg8[%dma_start3A_493, %dma_start3A_494] : memref<1024x32xf32, #tpu.memory_space<vmem>> -> memref<256x32xf32, #tpu.memory_space<vmem>>
      %dma_start3A_496 = arith.constant 0 : i32
      %dma_start3A_497 = tpu.memref_slice %arg5[%add3A_492, %dma_start3A_496] : memref<100x256xi32, #tpu.memory_space<vmem>> -> memref<1x256xi32, #tpu.memory_space<vmem>>
      %dma_start3A_498 = tpu.memref_squeeze %dma_start3A_497 : memref<1x256xi32, #tpu.memory_space<vmem>> -> memref<256xi32, #tpu.memory_space<vmem>>
      %dma_start3A_499 = arith.constant 0 : i32
      %dma_start3A_500 = arith.constant 0 : i32
      %dma_start3A_501 = tpu.memref_slice %arg3[%dma_start3A_499, %dma_start3A_500] : memref<100000x32xf32, #tpu.memory_space<hbm>> -> memref<100000x32xf32, #tpu.memory_space<hbm>>
      tpu.enqueue_indirect_dma source(%dma_start3A_501 : memref<100000x32xf32, #tpu.memory_space<hbm>>) target(%dma_start3A_495 : memref<256x32xf32, #tpu.memory_space<vmem>>) offsets(%dma_start3A_498 : memref<256xi32, #tpu.memory_space<vmem>>) semaphore(%arg11 : memref<!tpu.dma_semaphore, #tpu.memory_space<semaphore_mem>>)
      %mul3A_502 = arith.constant 4 : i32
      %mul3A_503 = arith.muli %add3A_488, %mul3A_502 : i32
      %add3A_504 = arith.constant 1 : i32
      %add3A_505 = arith.addi %mul3A_503, %add3A_504 : i32
      %dma_start3A_506 = arith.constant 256 : i32
      %dma_start3A_507 = arith.constant 0 : i32
      %dma_start3A_508 = tpu.memref_slice %arg8[%dma_start3A_506, %dma_start3A_507] : memref<1024x32xf32, #tpu.memory_space<vmem>> -> memref<256x32xf32, #tpu.memory_space<vmem>>
      %dma_start3A_509 = arith.constant 0 : i32
      %dma_start3A_510 = tpu.memref_slice %arg5[%add3A_505, %dma_start3A_509] : memref<100x256xi32, #tpu.memory_space<vmem>> -> memref<1x256xi32, #tpu.memory_space<vmem>>
      %dma_start3A_511 = tpu.memref_squeeze %dma_start3A_510 : memref<1x256xi32, #tpu.memory_space<vmem>> -> memref<256xi32, #tpu.memory_space<vmem>>
      %dma_start3A_512 = arith.constant 0 : i32
      %dma_start3A_513 = arith.constant 0 : i32
      %dma_start3A_514 = tpu.memref_slice %arg3[%dma_start3A_512, %dma_start3A_513] : memref<100000x32xf32, #tpu.memory_space<hbm>> -> memref<100000x32xf32, #tpu.memory_space<hbm>>
      tpu.enqueue_indirect_dma source(%dma_start3A_514 : memref<100000x32xf32, #tpu.memory_space<hbm>>) target(%dma_start3A_508 : memref<256x32xf32, #tpu.memory_space<vmem>>) offsets(%dma_start3A_511 : memref<256xi32, #tpu.memory_space<vmem>>) semaphore(%arg11 : memref<!tpu.dma_semaphore, #tpu.memory_space<semaphore_mem>>)
      %mul3A_515 = arith.constant 4 : i32
      %mul3A_516 = arith.muli %add3A_488, %mul3A_515 : i32
      %add3A_517 = arith.constant 2 : i32
      %add3A_518 = arith.addi %mul3A_516, %add3A_517 : i32
      %dma_start3A_519 = arith.constant 512 : i32
      %dma_start3A_520 = arith.constant 0 : i32
      %dma_start3A_521 = tpu.memref_slice %arg8[%dma_start3A_519, %dma_start3A_520] : memref<1024x32xf32, #tpu.memory_space<vmem>> -> memref<256x32xf32, #tpu.memory_space<vmem>>
      %dma_start3A_522 = arith.constant 0 : i32
      %dma_start3A_523 = tpu.memref_slice %arg5[%add3A_518, %dma_start3A_522] : memref<100x256xi32, #tpu.memory_space<vmem>> -> memref<1x256xi32, #tpu.memory_space<vmem>>
      %dma_start3A_524 = tpu.memref_squeeze %dma_start3A_523 : memref<1x256xi32, #tpu.memory_space<vmem>> -> memref<256xi32, #tpu.memory_space<vmem>>
      %dma_start3A_525 = arith.constant 0 : i32
      %dma_start3A_526 = arith.constant 0 : i32
      %dma_start3A_527 = tpu.memref_slice %arg3[%dma_start3A_525, %dma_start3A_526] : memref<100000x32xf32, #tpu.memory_space<hbm>> -> memref<100000x32xf32, #tpu.memory_space<hbm>>
      tpu.enqueue_indirect_dma source(%dma_start3A_527 : memref<100000x32xf32, #tpu.memory_space<hbm>>) target(%dma_start3A_521 : memref<256x32xf32, #tpu.memory_space<vmem>>) offsets(%dma_start3A_524 : memref<256xi32, #tpu.memory_space<vmem>>) semaphore(%arg11 : memref<!tpu.dma_semaphore, #tpu.memory_space<semaphore_mem>>)
      %mul3A_528 = arith.constant 4 : i32
      %mul3A_529 = arith.muli %add3A_488, %mul3A_528 : i32
      %add3A_530 = arith.constant 3 : i32
      %add3A_531 = arith.addi %mul3A_529, %add3A_530 : i32
      %dma_start3A_532 = arith.constant 768 : i32
      %dma_start3A_533 = arith.constant 0 : i32
      %dma_start3A_534 = tpu.memref_slice %arg8[%dma_start3A_532, %dma_start3A_533] : memref<1024x32xf32, #tpu.memory_space<vmem>> -> memref<256x32xf32, #tpu.memory_space<vmem>>
      %dma_start3A_535 = arith.constant 0 : i32
      %dma_start3A_536 = tpu.memref_slice %arg5[%add3A_531, %dma_start3A_535] : memref<100x256xi32, #tpu.memory_space<vmem>> -> memref<1x256xi32, #tpu.memory_space<vmem>>
      %dma_start3A_537 = tpu.memref_squeeze %dma_start3A_536 : memref<1x256xi32, #tpu.memory_space<vmem>> -> memref<256xi32, #tpu.memory_space<vmem>>
      %dma_start3A_538 = arith.constant 0 : i32
      %dma_start3A_539 = arith.constant 0 : i32
      %dma_start3A_540 = tpu.memref_slice %arg3[%dma_start3A_538, %dma_start3A_539] : memref<100000x32xf32, #tpu.memory_space<hbm>> -> memref<100000x32xf32, #tpu.memory_space<hbm>>
      tpu.enqueue_indirect_dma source(%dma_start3A_540 : memref<100000x32xf32, #tpu.memory_space<hbm>>) target(%dma_start3A_534 : memref<256x32xf32, #tpu.memory_space<vmem>>) offsets(%dma_start3A_537 : memref<256xi32, #tpu.memory_space<vmem>>) semaphore(%arg11 : memref<!tpu.dma_semaphore, #tpu.memory_space<semaphore_mem>>)
    }
    %scan3A_198 = arith.constant 7 : i32
    %dma_wait3A_199 = arith.constant 0 : i32
    %dma_wait3A_200 = arith.constant 0 : i32
    %dma_wait3A_201 = tpu.memref_slice %arg4[%dma_wait3A_199, %dma_wait3A_200] : memref<819200x32xf32, #tpu.memory_space<hbm>> -> memref<1024x32xf32, #tpu.memory_space<hbm>>
    %dma_wait3A_202 = arith.constant 0 : i32
    %dma_wait3A_203 = arith.constant 0 : i32
    %dma_wait3A_204 = tpu.memref_slice %arg4[%dma_wait3A_202, %dma_wait3A_203] : memref<819200x32xf32, #tpu.memory_space<hbm>> -> memref<1024x32xf32, #tpu.memory_space<hbm>>
    tpu.wait_dma2 semaphore(%arg10 : memref<!tpu.dma_semaphore, #tpu.memory_space<semaphore_mem>>) src(%dma_wait3A_204 : memref<1024x32xf32, #tpu.memory_space<hbm>>) dst(%arg7 : memref<1024x32xf32, #tpu.memory_space<vmem>>)
    %add3A_205 = arith.constant 22528 : i32
    %add3A_206 = arith.addi %mul3A_2, %add3A_205 : i32
    %dma_start3A_207 = arith.constant 0 : i32
    %dma_start3A_208 = tpu.memref_slice %arg4[%add3A_206, %dma_start3A_207] : memref<819200x32xf32, #tpu.memory_space<hbm>> -> memref<1024x32xf32, #tpu.memory_space<hbm>>
    %dma_start3A_209 = arith.constant 0 : i32
    %dma_start3A_210 = tpu.memref_slice %arg4[%add3A_206, %dma_start3A_209] : memref<819200x32xf32, #tpu.memory_space<hbm>> -> memref<1024x32xf32, #tpu.memory_space<hbm>>
    tpu.enqueue_dma source(%arg7 : memref<1024x32xf32, #tpu.memory_space<vmem>>) target(%dma_start3A_210 : memref<1024x32xf32, #tpu.memory_space<hbm>>) target_semaphore(%arg13 : memref<!tpu.dma_semaphore, #tpu.memory_space<semaphore_mem>>)
    %dma_wait3A_211 = arith.constant 0 : i32
    %dma_wait3A_212 = arith.constant 0 : i32
    %dma_wait3A_213 = tpu.memref_slice %arg4[%dma_wait3A_211, %dma_wait3A_212] : memref<819200x32xf32, #tpu.memory_space<hbm>> -> memref<1024x32xf32, #tpu.memory_space<hbm>>
    %dma_wait3A_214 = arith.constant 0 : i32
    %dma_wait3A_215 = arith.constant 0 : i32
    %dma_wait3A_216 = tpu.memref_slice %arg4[%dma_wait3A_214, %dma_wait3A_215] : memref<819200x32xf32, #tpu.memory_space<hbm>> -> memref<1024x32xf32, #tpu.memory_space<hbm>>
    tpu.wait_dma2 semaphore(%arg12 : memref<!tpu.dma_semaphore, #tpu.memory_space<semaphore_mem>>) src(%arg6 : memref<1024x32xf32, #tpu.memory_space<vmem>>) dst(%dma_wait3A_216 : memref<1024x32xf32, #tpu.memory_space<hbm>>)
    %dma_start3A_217 = arith.constant 96 : i32
    %dma_start3A_218 = arith.constant 0 : i32
    %dma_start3A_219 = arith.constant 0 : i32
    %dma_start3A_220 = tpu.memref_slice %arg6[%dma_start3A_218, %dma_start3A_219] : memref<1024x32xf32, #tpu.memory_space<vmem>> -> memref<256x32xf32, #tpu.memory_space<vmem>>
    %dma_start3A_221 = arith.constant 0 : i32
    %dma_start3A_222 = tpu.memref_slice %arg5[%dma_start3A_217, %dma_start3A_221] : memref<100x256xi32, #tpu.memory_space<vmem>> -> memref<1x256xi32, #tpu.memory_space<vmem>>
    %dma_start3A_223 = tpu.memref_squeeze %dma_start3A_222 : memref<1x256xi32, #tpu.memory_space<vmem>> -> memref<256xi32, #tpu.memory_space<vmem>>
    %dma_start3A_224 = arith.constant 0 : i32
    %dma_start3A_225 = arith.constant 0 : i32
    %dma_start3A_226 = tpu.memref_slice %arg3[%dma_start3A_224, %dma_start3A_225] : memref<100000x32xf32, #tpu.memory_space<hbm>> -> memref<100000x32xf32, #tpu.memory_space<hbm>>
    tpu.enqueue_indirect_dma source(%dma_start3A_226 : memref<100000x32xf32, #tpu.memory_space<hbm>>) target(%dma_start3A_220 : memref<256x32xf32, #tpu.memory_space<vmem>>) offsets(%dma_start3A_223 : memref<256xi32, #tpu.memory_space<vmem>>) semaphore(%arg9 : memref<!tpu.dma_semaphore, #tpu.memory_space<semaphore_mem>>)
    %dma_start3A_227 = arith.constant 97 : i32
    %dma_start3A_228 = arith.constant 256 : i32
    %dma_start3A_229 = arith.constant 0 : i32
    %dma_start3A_230 = tpu.memref_slice %arg6[%dma_start3A_228, %dma_start3A_229] : memref<1024x32xf32, #tpu.memory_space<vmem>> -> memref<256x32xf32, #tpu.memory_space<vmem>>
    %dma_start3A_231 = arith.constant 0 : i32
    %dma_start3A_232 = tpu.memref_slice %arg5[%dma_start3A_227, %dma_start3A_231] : memref<100x256xi32, #tpu.memory_space<vmem>> -> memref<1x256xi32, #tpu.memory_space<vmem>>
    %dma_start3A_233 = tpu.memref_squeeze %dma_start3A_232 : memref<1x256xi32, #tpu.memory_space<vmem>> -> memref<256xi32, #tpu.memory_space<vmem>>
    %dma_start3A_234 = arith.constant 0 : i32
    %dma_start3A_235 = arith.constant 0 : i32
    %dma_start3A_236 = tpu.memref_slice %arg3[%dma_start3A_234, %dma_start3A_235] : memref<100000x32xf32, #tpu.memory_space<hbm>> -> memref<100000x32xf32, #tpu.memory_space<hbm>>
    tpu.enqueue_indirect_dma source(%dma_start3A_236 : memref<100000x32xf32, #tpu.memory_space<hbm>>) target(%dma_start3A_230 : memref<256x32xf32, #tpu.memory_space<vmem>>) offsets(%dma_start3A_233 : memref<256xi32, #tpu.memory_space<vmem>>) semaphore(%arg9 : memref<!tpu.dma_semaphore, #tpu.memory_space<semaphore_mem>>)
    %dma_start3A_237 = arith.constant 98 : i32
    %dma_start3A_238 = arith.constant 512 : i32
    %dma_start3A_239 = arith.constant 0 : i32
    %dma_start3A_240 = tpu.memref_slice %arg6[%dma_start3A_238, %dma_start3A_239] : memref<1024x32xf32, #tpu.memory_space<vmem>> -> memref<256x32xf32, #tpu.memory_space<vmem>>
    %dma_start3A_241 = arith.constant 0 : i32
    %dma_start3A_242 = tpu.memref_slice %arg5[%dma_start3A_237, %dma_start3A_241] : memref<100x256xi32, #tpu.memory_space<vmem>> -> memref<1x256xi32, #tpu.memory_space<vmem>>
    %dma_start3A_243 = tpu.memref_squeeze %dma_start3A_242 : memref<1x256xi32, #tpu.memory_space<vmem>> -> memref<256xi32, #tpu.memory_space<vmem>>
    %dma_start3A_244 = arith.constant 0 : i32
    %dma_start3A_245 = arith.constant 0 : i32
    %dma_start3A_246 = tpu.memref_slice %arg3[%dma_start3A_244, %dma_start3A_245] : memref<100000x32xf32, #tpu.memory_space<hbm>> -> memref<100000x32xf32, #tpu.memory_space<hbm>>
    tpu.enqueue_indirect_dma source(%dma_start3A_246 : memref<100000x32xf32, #tpu.memory_space<hbm>>) target(%dma_start3A_240 : memref<256x32xf32, #tpu.memory_space<vmem>>) offsets(%dma_start3A_243 : memref<256xi32, #tpu.memory_space<vmem>>) semaphore(%arg9 : memref<!tpu.dma_semaphore, #tpu.memory_space<semaphore_mem>>)
    %dma_start3A_247 = arith.constant 99 : i32
    %dma_start3A_248 = arith.constant 768 : i32
    %dma_start3A_249 = arith.constant 0 : i32
    %dma_start3A_250 = tpu.memref_slice %arg6[%dma_start3A_248, %dma_start3A_249] : memref<1024x32xf32, #tpu.memory_space<vmem>> -> memref<256x32xf32, #tpu.memory_space<vmem>>
    %dma_start3A_251 = arith.constant 0 : i32
    %dma_start3A_252 = tpu.memref_slice %arg5[%dma_start3A_247, %dma_start3A_251] : memref<100x256xi32, #tpu.memory_space<vmem>> -> memref<1x256xi32, #tpu.memory_space<vmem>>
    %dma_start3A_253 = tpu.memref_squeeze %dma_start3A_252 : memref<1x256xi32, #tpu.memory_space<vmem>> -> memref<256xi32, #tpu.memory_space<vmem>>
    %dma_start3A_254 = arith.constant 0 : i32
    %dma_start3A_255 = arith.constant 0 : i32
    %dma_start3A_256 = tpu.memref_slice %arg3[%dma_start3A_254, %dma_start3A_255] : memref<100000x32xf32, #tpu.memory_space<hbm>> -> memref<100000x32xf32, #tpu.memory_space<hbm>>
    tpu.enqueue_indirect_dma source(%dma_start3A_256 : memref<100000x32xf32, #tpu.memory_space<hbm>>) target(%dma_start3A_250 : memref<256x32xf32, #tpu.memory_space<vmem>>) offsets(%dma_start3A_253 : memref<256xi32, #tpu.memory_space<vmem>>) semaphore(%arg9 : memref<!tpu.dma_semaphore, #tpu.memory_space<semaphore_mem>>)
    %dma_wait3A_257 = arith.constant 0 : i32
    %dma_wait3A_258 = arith.constant 0 : i32
    %dma_wait3A_259 = tpu.memref_slice %arg4[%dma_wait3A_257, %dma_wait3A_258] : memref<819200x32xf32, #tpu.memory_space<hbm>> -> memref<1024x32xf32, #tpu.memory_space<hbm>>
    %dma_wait3A_260 = arith.constant 0 : i32
    %dma_wait3A_261 = arith.constant 0 : i32
    %dma_wait3A_262 = tpu.memref_slice %arg4[%dma_wait3A_260, %dma_wait3A_261] : memref<819200x32xf32, #tpu.memory_space<hbm>> -> memref<1024x32xf32, #tpu.memory_space<hbm>>
    tpu.wait_dma2 semaphore(%arg11 : memref<!tpu.dma_semaphore, #tpu.memory_space<semaphore_mem>>) src(%dma_wait3A_262 : memref<1024x32xf32, #tpu.memory_space<hbm>>) dst(%arg8 : memref<1024x32xf32, #tpu.memory_space<vmem>>)
    %add3A_263 = arith.constant 23552 : i32
    %add3A_264 = arith.addi %mul3A_2, %add3A_263 : i32
    %dma_start3A_265 = arith.constant 0 : i32
    %dma_start3A_266 = tpu.memref_slice %arg4[%add3A_264, %dma_start3A_265] : memref<819200x32xf32, #tpu.memory_space<hbm>> -> memref<1024x32xf32, #tpu.memory_space<hbm>>
    %dma_start3A_267 = arith.constant 0 : i32
    %dma_start3A_268 = tpu.memref_slice %arg4[%add3A_264, %dma_start3A_267] : memref<819200x32xf32, #tpu.memory_space<hbm>> -> memref<1024x32xf32, #tpu.memory_space<hbm>>
    tpu.enqueue_dma source(%arg8 : memref<1024x32xf32, #tpu.memory_space<vmem>>) target(%dma_start3A_268 : memref<1024x32xf32, #tpu.memory_space<hbm>>) target_semaphore(%arg14 : memref<!tpu.dma_semaphore, #tpu.memory_space<semaphore_mem>>)
    %dma_wait3A_269 = arith.constant 0 : i32
    %dma_wait3A_270 = arith.constant 0 : i32
    %dma_wait3A_271 = tpu.memref_slice %arg4[%dma_wait3A_269, %dma_wait3A_270] : memref<819200x32xf32, #tpu.memory_space<hbm>> -> memref<1024x32xf32, #tpu.memory_space<hbm>>
    %dma_wait3A_272 = arith.constant 0 : i32
    %dma_wait3A_273 = arith.constant 0 : i32
    %dma_wait3A_274 = tpu.memref_slice %arg4[%dma_wait3A_272, %dma_wait3A_273] : memref<819200x32xf32, #tpu.memory_space<hbm>> -> memref<1024x32xf32, #tpu.memory_space<hbm>>
    tpu.wait_dma2 semaphore(%arg9 : memref<!tpu.dma_semaphore, #tpu.memory_space<semaphore_mem>>) src(%dma_wait3A_274 : memref<1024x32xf32, #tpu.memory_space<hbm>>) dst(%arg6 : memref<1024x32xf32, #tpu.memory_space<vmem>>)
    %add3A_275 = arith.constant 24576 : i32
    %add3A_276 = arith.addi %mul3A_2, %add3A_275 : i32
    %dma_start3A_277 = arith.constant 0 : i32
    %dma_start3A_278 = tpu.memref_slice %arg4[%add3A_276, %dma_start3A_277] : memref<819200x32xf32, #tpu.memory_space<hbm>> -> memref<1024x32xf32, #tpu.memory_space<hbm>>
    %dma_start3A_279 = arith.constant 0 : i32
    %dma_start3A_280 = tpu.memref_slice %arg4[%add3A_276, %dma_start3A_279] : memref<819200x32xf32, #tpu.memory_space<hbm>> -> memref<1024x32xf32, #tpu.memory_space<hbm>>
    tpu.enqueue_dma source(%arg6 : memref<1024x32xf32, #tpu.memory_space<vmem>>) target(%dma_start3A_280 : memref<1024x32xf32, #tpu.memory_space<hbm>>) target_semaphore(%arg12 : memref<!tpu.dma_semaphore, #tpu.memory_space<semaphore_mem>>)
    %dma_wait3A_281 = arith.constant 0 : i32
    %dma_wait3A_282 = arith.constant 0 : i32
    %dma_wait3A_283 = tpu.memref_slice %arg4[%dma_wait3A_281, %dma_wait3A_282] : memref<819200x32xf32, #tpu.memory_space<hbm>> -> memref<1024x32xf32, #tpu.memory_space<hbm>>
    %dma_wait3A_284 = arith.constant 0 : i32
    %dma_wait3A_285 = arith.constant 0 : i32
    %dma_wait3A_286 = tpu.memref_slice %arg4[%dma_wait3A_284, %dma_wait3A_285] : memref<819200x32xf32, #tpu.memory_space<hbm>> -> memref<1024x32xf32, #tpu.memory_space<hbm>>
    tpu.wait_dma2 semaphore(%arg13 : memref<!tpu.dma_semaphore, #tpu.memory_space<semaphore_mem>>) src(%arg7 : memref<1024x32xf32, #tpu.memory_space<vmem>>) dst(%dma_wait3A_286 : memref<1024x32xf32, #tpu.memory_space<hbm>>)
    %dma_wait3A_287 = arith.constant 0 : i32
    %dma_wait3A_288 = arith.constant 0 : i32
    %dma_wait3A_289 = tpu.memref_slice %arg4[%dma_wait3A_287, %dma_wait3A_288] : memref<819200x32xf32, #tpu.memory_space<hbm>> -> memref<1024x32xf32, #tpu.memory_space<hbm>>
    %dma_wait3A_290 = arith.constant 0 : i32
    %dma_wait3A_291 = arith.constant 0 : i32
    %dma_wait3A_292 = tpu.memref_slice %arg4[%dma_wait3A_290, %dma_wait3A_291] : memref<819200x32xf32, #tpu.memory_space<hbm>> -> memref<1024x32xf32, #tpu.memory_space<hbm>>
    tpu.wait_dma2 semaphore(%arg14 : memref<!tpu.dma_semaphore, #tpu.memory_space<semaphore_mem>>) src(%arg8 : memref<1024x32xf32, #tpu.memory_space<vmem>>) dst(%dma_wait3A_292 : memref<1024x32xf32, #tpu.memory_space<hbm>>)
    %dma_wait3A_293 = arith.constant 0 : i32
    %dma_wait3A_294 = arith.constant 0 : i32
    %dma_wait3A_295 = tpu.memref_slice %arg4[%dma_wait3A_293, %dma_wait3A_294] : memref<819200x32xf32, #tpu.memory_space<hbm>> -> memref<1024x32xf32, #tpu.memory_space<hbm>>
    %dma_wait3A_296 = arith.constant 0 : i32
    %dma_wait3A_297 = arith.constant 0 : i32
    %dma_wait3A_298 = tpu.memref_slice %arg4[%dma_wait3A_296, %dma_wait3A_297] : memref<819200x32xf32, #tpu.memory_space<hbm>> -> memref<1024x32xf32, #tpu.memory_space<hbm>>
    tpu.wait_dma2 semaphore(%arg12 : memref<!tpu.dma_semaphore, #tpu.memory_space<semaphore_mem>>) src(%arg6 : memref<1024x32xf32, #tpu.memory_space<vmem>>) dst(%dma_wait3A_298 : memref<1024x32xf32, #tpu.memory_space<hbm>>)
    return
  }
}

</mosaic_0001>

<sc_bundles>
// kernel: kernel.3.cloned.1.call-start
scs
__scs_entry_jumppad:
0x0: {  	(pc) =	sbr.rel $0x88, $3  }
0x1: {  	(tag) =	ssettag $0x0;
	lr =	simm.s32 $0x1  }
0x2: {  	[smem:$0x3F9F] =	sst lr;
	_ =	strace $0xD0000000  }
0x3: {  	_ = 	snop  }
0x4: {  	_ = 	snop  }
0x5: {  	_ = 	snop  }
0x6: {  	_ = 	snop  }
0x7: {  	_ = 	snop  }
__scs_overlays_trampoline_lowered:
0x8: {  	[smem:$0x3FAE] =	sst s0  }
0x9: {  	[smem:$0x3FAF] =	sst s1  }
0xa: {  	[smem:$0x3FB0] =	sst s2  }
0xb: {  	[smem:$0x3FB1] =	sst s3  }
0xc: {  	[smem:$0x3FB2] =	sst s4  }
0xd: {  	[smem:$0x3FB3] =	sst s5  }
0xe: {  	[smem:$0x3FB4] =	sst s6  }
0xf: {  	[smem:$0x3FB5] =	sst s7  }
0x10: {  	[smem:$0x3FB6] =	sst s8  }
0x11: {  	[smem:$0x3FB7] =	sst s9;
	s0 =	simm.s32 @!p0 $0x0  }
0x12: {  	s1 =	sld [smem:$0x3F9D];
	s0 =	simm.s32 @p0 $0x1  }
0x13: {  	[smem:$0x3FB8] =	sst s0;
	s0 =	simm.s32 @!p1 $0x0  }
0x14: {  	s2 =	sld [smem:$0x3F9C];
	s0 =	simm.s32 @p1 $0x1  }
0x15: {  	[smem:$0x3FB9] =	sst s0;
	s0 =	simm.s32 @!p2 $0x0  }
0x16: {  	s3 =	sld [smem:$0x3FDB];
	s0 =	simm.s32 @p2 $0x1  }
0x17: {  	s4 =	simm.s32 $0x1BF5;
	[smem:$0x3FBB] =	sst s0  }
0x18: {  	s0 =	sld [smem:$0x3F9E];
	_ =	swait.ge [sflag:s4], $0x0  }
0x19: {  	s7 =	sld [smem:$0x3F9F]  }
0x1a: {  	s8 =	sadd.s32 $0xFFFFE003, lr  }
0x1b: {  	s9 =	sadd.s32 $0xFFFFFEF7, lr;
	s5 =	simm.s32 $0xFFFFFFFF;
	p2 =	slt.u32 s8, $0xFFFFF086  }
0x1c: {  	p1 =	slt.u32 s9, $0xF7A;
	s5 =	simm.s32 @!p2 $0x0  }
0x1d: {  	s5 =	simm.s32 @p1 $0x1;
	p0 =	seq.s32 s7, s2  }
0x1e: {  	s7 =	smul.u32 @!p0 $0xF7A, s2;
	p2 =	seq.s32 @!p0 s5, $0x0  }
0x1f: {  	s9 =	smul.u32 $0xF7A, s1;
	s8 =	simm.s32 @!p0 $0x1BF5;
	p2 =	por !p2, p0  }
0x20: {  	[sflag:s8] =	ssyncset.s32 @!p0 $0xFFFFF086;
	s6 =	sadd.s32 @!p0 s3, s7;
	s7 =	simm.s32 @!p0 $0x108  }
0x21: {  	s3 =	sadd.s32 s3, s9;
	s6 =	sadd.s32 @!p0 $0x88, s6;
	s7 =	simm.s32 @p2 $0x1082  }
0x22: {  	[simem:s7], [sflag:s8] =	dma.local @!p0 [hbm:s6], $0xF7A  }
0x23: {  	s9 =	sor.u32 $0xD0000000, s2;
	s6 =	simm.s32 $0x108;
	_ =	swait.ge @!p0 [sflag:s8], $0x0  }
0x24: {  	s3 =	sadd.s32 $0x88, s3;
	s6 =	simm.s32 @!p1 $0x1082;
	[sflag:s4] =	ssyncset.s32 $0xFFFFF086  }
0x25: {  	[simem:s6], [sflag:s4] =	dma.local [hbm:s3], $0xF7A  }
0x26: {  	[smem:$0x3F9F] =	sst s1;
	(tag) =	ssettag s2;
	_ =	strace s9  }
0x27: {  	s1 =	sld [smem:$0x3FAF]  }
0x28: {  	s2 =	sld [smem:$0x3FB0]  }
0x29: {  	s4 =	sld [smem:$0x3FB2]  }
0x2a: {  	p0 =	seq.s32 s5, $0x0;
	s5 =	sld [smem:$0x3FB3]  }
0x2b: {  	s6 =	sld [smem:$0x3FB4]  }
0x2c: {  	s7 =	sld [smem:$0x3FB5]  }
0x2d: {  	s3 =	simm.s32 $0x108;
	s8 =	sld [smem:$0x3FB6]  }
0x2e: {  	s3 =	simm.s32 @!p0 $0x1082;
	s9 =	sld [smem:$0x3FB7]  }
0x2f: {  	lr =	sadd.s32 s0, s3;
	s0 =	sld [smem:$0x3FAE]  }
0x30: {  	s3 =	sld [smem:$0x3FB1]  }
0x31: {  	[smem:$0x3FBA] =	sst s10  }
0x32: {  	s10 =	sld [smem:$0x3FB8];
	_ =	sdelay $0x3  }
0x33: {  	p0 =	seq.s32 s10, $0x1;
	s10 =	sld [smem:$0x3FBA];
	_ =	sdelay $0x3  }
0x34: {  	[smem:$0x3FBA] =	sst s10  }
0x35: {  	s10 =	sld [smem:$0x3FB9];
	_ =	sdelay $0x3  }
0x36: {  	p1 =	seq.s32 s10, $0x1;
	s10 =	sld [smem:$0x3FBA];
	_ =	sdelay $0x3  }
0x37: {  	[smem:$0x3FBA] =	sst s10  }
0x38: {  	s10 =	sld [smem:$0x3FBB]  }
0x39: {  	_ = 	snop;
	(pc) =	sbr.ind lr, $3  }
0x3a: {  	_ = 	snop  }
0x3b: {  	_ = 	snop  }
0x3c: {  	p2 =	seq.s32 s10, $0x1;
	s10 =	sld [smem:$0x3FBA]  }
0x3d: {  	_ =	shalt  }
0x3e: {  	_ =	shalt  }
0x3f: {  	_ =	shalt  }
0x40: {  	_ =	shalt  }
0x41: {  	_ =	shalt  }
0x42: {  	_ =	shalt  }
0x43: {  	_ =	shalt  }
0x44: {  	_ =	shalt  }
0x45: {  	_ =	shalt  }
0x46: {  	_ =	shalt  }
0x47: {  	_ =	shalt  }
0x48: {  	_ =	shalt  }
0x49: {  	_ =	shalt  }
0x4a: {  	_ =	shalt  }
0x4b: {  	_ =	shalt  }
0x4c: {  	_ =	shalt  }
0x4d: {  	_ =	shalt  }
0x4e: {  	_ =	shalt  }
0x4f: {  	_ =	shalt  }
0x50: {  	_ =	shalt  }
0x51: {  	_ =	shalt  }
0x52: {  	_ =	shalt  }
0x53: {  	_ =	shalt  }
0x54: {  	_ =	shalt  }
0x55: {  	_ =	shalt  }
0x56: {  	_ =	shalt  }
0x57: {  	_ =	shalt  }
0x58: {  	_ =	shalt  }
0x59: {  	_ =	shalt  }
0x5a: {  	_ =	shalt  }
0x5b: {  	_ =	shalt  }
0x5c: {  	_ =	shalt  }
0x5d: {  	_ =	shalt  }
0x5e: {  	_ =	shalt  }
0x5f: {  	_ =	shalt  }
0x60: {  	_ =	shalt  }
0x61: {  	_ =	shalt  }
0x62: {  	_ =	shalt  }
0x63: {  	_ =	shalt  }
0x64: {  	_ =	shalt  }
0x65: {  	_ =	shalt  }
0x66: {  	_ =	shalt  }
0x67: {  	_ =	shalt  }
0x68: {  	_ =	shalt  }
0x69: {  	_ =	shalt  }
0x6a: {  	_ =	shalt  }
0x6b: {  	_ =	shalt  }
0x6c: {  	_ =	shalt  }
0x6d: {  	_ =	shalt  }
0x6e: {  	_ =	shalt  }
0x6f: {  	_ =	shalt  }
0x70: {  	_ =	shalt  }
0x71: {  	_ =	shalt  }
0x72: {  	_ =	shalt  }
0x73: {  	_ =	shalt  }
0x74: {  	_ =	shalt  }
0x75: {  	_ =	shalt  }
0x76: {  	_ =	shalt  }
0x77: {  	_ =	shalt  }
0x78: {  	_ =	shalt  }
0x79: {  	_ =	shalt  }
0x7a: {  	_ =	shalt  }
0x7b: {  	_ =	shalt  }
0x7c: {  	_ =	shalt  }
0x7d: {  	_ =	shalt  }
0x7e: {  	_ =	shalt  }
0x7f: {  	_ =	shalt  }
0x80: {  	_ =	shalt  }
0x81: {  	_ =	shalt  }
0x82: {  	_ =	shalt  }
0x83: {  	_ =	shalt  }
0x84: {  	_ =	shalt  }
0x85: {  	_ =	shalt  }
0x86: {  	_ =	shalt  }
0x87: {  	_ =	shalt  }
.Lfunc_end0:
.L_simem_size_0:
called_computation.1_lowered:
.L_overlay_start_0:
0x88: {  	s2 =	sld [smem:$0x3FD9]  }
0x89: {  	s3 =	sld [smem:$0x3FFE];
	_ =	sdelay $0x1  }
0x8a: {  	s1 =	srdreg.scid  }
0x8b: {  	s0 =	sand.u32 $0x1, s1  }
0x8c: {  	s17 =	sshll.u32 s0, $0xA;
	s2 =	sadd.s32 s3, s2  }
0x8d: {  	s2 =	sadd.s32 s2, s17  }
0x8e: {  	[smem:$0x3FC6] =	sst s2  }
0x8f: {  	_ = 	snop  }
0x90: {  	s2 =	sld [smem:$0x3FD0];
	(tm) =	ssettm $0x1  }
0x91: {  	s18 =	sld [smem:$0x3FFB];
	_ =	sdelay $0x3  }
0x92: {  	_ =	strace s18  }
0x93: {  	s3 =	sld [smem:$0x3FFC];
	_ =	sdelay $0x3  }
0x94: {  	_ =	strace s3  }
0x95: {  	s3 =	sld [smem:$0x3FFD];
	_ =	sdelay $0x3  }
0x96: {  	_ =	strace s3  }
0x97: {  	_ =	strace $0x8FFFFFFF  }
0x98: {  	s19 =	sld [smem:$0x3FDB];
	_ =	sdelay $0x1  }
0x99: {  	s4 =	simm.s32 $_scs_section_size  }
0x9a: {  	s5 =	simm.s32 $_size__tile_overlayer_lowered;
	s6 =	simm.s32 $_tile_overlayer_lowered  }
0x9b: {  	s22 =	simm.s32 $0x1BFF;
	s21 =	sshll.u32 s6, $0x1;
	s3 =	sadd.s32 s4, s19  }
0x9c: {  	s7 =	simm.s32 $0x0;
	s20 =	sshll.u32 s5, $0x1;
	s5 =	sadd.s32 s21, s3  }
0x9d: {  	[timem:s7], [sflag:s22] =	dma.local [hbm:s5], s20  }
0x9e: {  	_ =	swait.ge [sflag:s22], s20  }
0x9f: {  	s4 =	ssub.s32 $0x0, s20;
	[sflag:s22] =	ssyncset.done $0x0  }
0xa0: {  	[sflag:s22] =	ssyncadd.s32 s4;
	_ =	sdelay $0x1  }
0xa1: {  	s23 =	simm.s32 $0x1B8B  }
0xa2: {  	_ =	swait.ge [sflag:s23], $0x1  }
0xa3: {  	[sflag:s23] =	ssyncset.done $0x0  }
0xa4: {  	s25 =	simm.s32 $0x1B8E;
	s24 =	sld [smem:$0x3FFE];
	[sflag:s23] =	ssyncadd.s32 $0xFFFFFFFF  }
0xa5: {  	s26 =	simm.s32 $execute0_lowered;
	[smem:$0x3FD2] =	sst s25  }
0xa6: {  	s5 =	sshll.u32 s26, $0x1;
	_ =	strace $0x80000046;
	[dreg:$0x1] =	wrdreg $0xFFFFFFFF  }
0xa7: {  	s28 =	simm.s32 $_size_execute0_lowered;
	s3 =	sadd.s32 s3, s5;
	[dreg:$0x0] =	wrdreg $0x0  }
0xa8: {  	s5 =	sshll.u32 s28, $0x1;
	[dreg:$0x2] =	wrdreg s3  }
0xa9: {  	[dreg:$0x3] =	wrdreg s5  }
0xaa: {  	[dreg:$0x4] =	wrdreg $0xC0  }
0xab: {  	_ =	task [dreg:s7], $0x5FFFF  }
0xac: {  	[dreg:$0x1] =	wrdreg $0xFFFFFFFF  }
0xad: {  	[dreg:$0x0] =	wrdreg $0x60  }
0xae: {  	[dreg:$0x2] =	wrdreg s24  }
0xaf: {  	[dreg:$0x3] =	wrdreg s2  }
0xb0: {  	[dreg:$0x4] =	wrdreg $0x9  }
0xb1: {  	_ =	task.clear_ibuf [dreg:s7], $0x5FFFF;
	_ =	strace $0x90000046  }
0xb2: {  	s29 =	simm.s32 $0x9;
	_ =	strace $0x80000048  }
0xb3: {  	_ =	swait.ge [sflag:s29], $0x1  }
0xb4: {  	[sflag:s29] =	ssyncadd.s32 $0xFFFFFFFF  }
0xb5: {  	_ =	strace $0x90000048  }
0xb6: {  	_ =	sfence  }
0xb7: {  	s30 =	sld [smem:$0x0];
	_ =	sdelay $0x2  }
0xb8: {  	s31 =	sshll.u32 s1, $0xD;
	s1 =	sshrl.u32 s1, $0x2  }
0xb9: {  	s3 =	sand.u32 $0x4000, s31;
	s1 =	sadd.s32 s1, s30  }
0xba: {  	s0 =	sor.u32 s3, s0;
	s1 =	sshll.u32 s1, $0x11  }
0xbb: {  	s0 =	sor.u32 s1, s0  }
0xbc: {  	s0 =	sadd.s32 $0x8F2B, s0  }
0xbd: {  	[sflag:s0] =	ssyncadd.remote.s32 $0x1  }
0xbe: {  	_ =	sfence.sel $0xFFFF  }
0xbf: {  	[dreg:$0x0] =	wrdreg $0xFFFFFFFF;
	(pc) =	sbr.abs _section_cstart, $3  }
0xc0: {  	[dreg:$0x1] =	wrdreg $0xFFFFFFFF  }
0xc1: {  	_ =	task.clear_ibuf [dreg:s7], $0x2FFFF;
	_ =	strace $0x9FFFFFFF  }
0xc2: {  	(tm) =	ssettm $0x7FFFFFFF  }
0xc3: {  	_ =	shalt  }
tec
execute0_lowered:
.L_overlay_start_1:
0x0: {  	(tag) =	ssettag $0x1  }
0x1: {  	s0 =	srdreg.scid  }
0x2: {  	s12 =	stileid.u32;
	s1 =	rddreg [dreg:$0x0]  }
0x3: {  	s2 =	rddreg [dreg:$0x1];
	s14 =	simm.s32 $0x7;
	s15 =	simm.s32 $0x100  }
0x4: {  	s16 =	simm.s32 $0x6400;
	s17 =	simm.s32 $0x8400;
	s11 =	smul.u32 $0xC800, s12  }
0x5: {  	s28 =	simm.s32 $0x12400;
	s0 =	sand.u32 $0x1, s0;
	s23 =	smul.u32 $0x190000, s12  }
0x6: {  	s30 =	simm.s32 $0x14400;
	s3 =	sshll.u32 s12, $0x1;
	s19 =	smul.u32 $0x6400, s0  }
0x7: {  	s5 =	sor.u32 s0, s3;
	s18 =	ssub.s32 $0x2, s0;
	s0 =	smul.u32 $0xC8000, s0  }
0x8: {  	s31 =	simm.s32 $0x8;
	s13 =	simm.s32 $0x16400;
	s6 =	smul.u32 $0x6400, s5  }
0x9: {  	s29 =	simm.s32 $0x1C400;
	s8 =	sadd.s32 $0x1800, s1;
	s7 =	smul.u32 $0xC80, s5  }
0xa: {  	s4 =	sadd.s32 $0x1A800, s1;
	s3 =	simm.s32 $0x0;
	s9 =	smul.u32 $0x19000, s5  }
0xb: {  	[smem:$0x7FF] =	sst s3;
	s5 =	smul.u32 $0xC8000, s5;
	s10 =	sshrl.u32 s18, $0x1  }
0xc: {  	_ =	strace $0x80000047;
	s1 =	ssub.s32 s18, s10;
	s21 =	sadd.s32 s19, s11  }
0xd: {  	s0 =	sadd.s32 s0, s23;
	s19 =	simm.s32 $0xA400;
	s23 =	simm.s32 $0xE400  }
0xe: {  	s18 =	simm.s32 $0x4;
	s6 =	sshrl.u32 s6, $0x3;
	s7 =	sadd.s32 s8, s7  }
0xf: {  	s5 =	sshrl.u32 s5, $0x3;
	s20 =	sadd.s32 s2, s9;
	[dreg:$0x5] =	wrdreg s7  }
0x10: {  	s1 =	smax.u32 s1, $0x1;
	s6 =	sadd.s32 s8, s6;
	[dreg:$0x7] =	wrdreg s20  }
0x11: {  	s5 =	sadd.s32 s2, s5;
	[dreg:$0xb] =	wrdreg s1;
	s6 =	sadd.s32 $0x640, s6  }
0x12: {  	s12 =	sadd.s32 $0x18000, s0;
	s22 =	sadd.s32 $0x16000, s5;
	[dreg:$0x6] =	wrdreg s6  }
0x13: {  	s0 =	simm.s32 $0x2;
	s24 =	sadd.s32 $0x17000, s5;
	[dreg:$0x8] =	wrdreg s22  }
0x14: {  	s1 =	simm.s32 $0x1;
	s5 =	sadd.s32 $0x18000, s5;
	[dreg:$0x9] =	wrdreg s24  }
0x15: {  	s20 =	simm.s32 $0x18400;
	s6 =	sshll.u32 s21, $0x2;
	[dreg:$0xa] =	wrdreg s5  }
0x16: {  	s21 =	simm.s32 $0xC400;
	s24 =	simm.s32 $0x1A400;
	s6 =	sadd.s32 s2, s6  }
0x17: {  	s22 =	simm.s32 $0x3;
	s5 =	simm.s32 $0x6;
	s25 =	sadd.s32 $0x2000, s6  }
0x18: {  	s26 =	sadd.s32 $0x1000, s6;
	s6 =	simm.s32 $0x0;
	[dreg:$0x3] =	wrdreg s25  }
0x19: {  	[dreg:$0x4] =	wrdreg s26;
	s25 =	simm.s32 $0x10400;
	s26 =	simm.s32 $0x5  }
.LBB2_1:
0x1a: {  	s7 =	rddreg [dreg:$0x5]  }
0x1b: {  	[tilespmem:s3], [sflag:$0x7] =	stream.linear.gather [hbm4b:s7+s3], $0x3200, $0x38;
	[tilespmem:$0x1E400] =	vst v63  }
0x1c: {  	s10 =	rddreg [dreg:$0x6];
	s8 =	simm.s32 $0x3200  }
0x1d: {  	[tilespmem:s8], [sflag:$0x8] =	stream.linear.gather [hbm4b:s10+s3], $0x3200, $0x38;
	[tilespmem:$0x1E400] =	vst v63  }
0x1e: {  	_ =	swait.ge [sflag:s14], $0x3200  }
0x1f: {  	[sflag:s14] =	ssyncset.done $0x0  }
0x20: {  	[sflag:s14] =	ssyncadd.s32 $0xFFFFCE00  }
0x21: {  	[tilespmem:s16], [sflag:$0x1] =	stream.indirect.gather [hbm4b:s4+s15], $0x20, s3, s15, $0xb8;
	[tilespmem:$0x1E400] =	vst v63  }
0x22: {  	_ = 	snop  }
0x23: {  	[tilespmem:s17], [sflag:$0x1] =	stream.indirect.gather [hbm4b:s4+s15], $0x20, s15, s15, $0xb8;
	[tilespmem:$0x1E400] =	vst v63  }
0x24: {  	s11 =	simm.s32 $0x200  }
0x25: {  	[tilespmem:s19], [sflag:$0x1] =	stream.indirect.gather [hbm4b:s4+s15], $0x20, s11, s15, $0xb8;
	[tilespmem:$0x1E400] =	vst v63  }
0x26: {  	s8 =	simm.s32 $0x300  }
0x27: {  	[tilespmem:s21], [sflag:$0x1] =	stream.indirect.gather [hbm4b:s4+s15], $0x20, s8, s15, $0xb8;
	[tilespmem:$0x1E400] =	vst v63  }
0x28: {  	s9 =	simm.s32 $0x400  }
0x29: {  	[tilespmem:s23], [sflag:$0x2] =	stream.indirect.gather [hbm4b:s4+s15], $0x20, s9, s15, $0xb8;
	[tilespmem:$0x1E400] =	vst v63  }
0x2a: {  	s10 =	simm.s32 $0x500  }
0x2b: {  	[tilespmem:s25], [sflag:$0x2] =	stream.indirect.gather [hbm4b:s4+s15], $0x20, s10, s15, $0xb8;
	[tilespmem:$0x1E400] =	vst v63  }
0x2c: {  	s11 =	simm.s32 $0x600  }
0x2d: {  	[tilespmem:s28], [sflag:$0x2] =	stream.indirect.gather [hbm4b:s4+s15], $0x20, s11, s15, $0xb8;
	[tilespmem:$0x1E400] =	vst v63  }
0x2e: {  	s8 =	simm.s32 $0x700  }
0x2f: {  	[tilespmem:s30], [sflag:$0x2] =	stream.indirect.gather [hbm4b:s4+s15], $0x20, s8, s15, $0xb8;
	[tilespmem:$0x1E400] =	vst v63  }
0x30: {  	_ =	swait.ge [sflag:s31], $0x3200  }
0x31: {  	[sflag:s31] =	ssyncset.done $0x0  }
0x32: {  	[sflag:s31] =	ssyncadd.s32 $0xFFFFCE00  }
0x33: {  	_ =	swait.ge [sflag:s1], $0x8000  }
0x34: {  	[sflag:s1] =	ssyncset.done $0x0  }
0x35: {  	s9 =	rddreg [dreg:$0x7];
	[sflag:s1] =	ssyncadd.s32 $0xFFFF8000  }
0x36: {  	[hbm4b:s9+s3] =	stream.linear.scatter [tilespmem:s16], [sflag:$0x4], $0x8000, $0x38;
	[tilespmem:$0x1E400] =	vst v63  }
0x37: {  	s10 =	simm.s32 $0x800  }
0x38: {  	[tilespmem:s13], [sflag:$0x3] =	stream.indirect.gather [hbm4b:s4+s15], $0x20, s10, s15, $0xb8;
	[tilespmem:$0x1E400] =	vst v63  }
0x39: {  	s11 =	simm.s32 $0x900  }
0x3a: {  	[tilespmem:s20], [sflag:$0x3] =	stream.indirect.gather [hbm4b:s4+s15], $0x20, s11, s15, $0xb8;
	[tilespmem:$0x1E400] =	vst v63  }
0x3b: {  	s8 =	simm.s32 $0xA00  }
0x3c: {  	[tilespmem:s24], [sflag:$0x3] =	stream.indirect.gather [hbm4b:s4+s15], $0x20, s8, s15, $0xb8;
	[tilespmem:$0x1E400] =	vst v63  }
0x3d: {  	s9 =	simm.s32 $0xB00  }
0x3e: {  	[tilespmem:s29], [sflag:$0x3] =	stream.indirect.gather [hbm4b:s4+s15], $0x20, s9, s15, $0xb8;
	[tilespmem:$0x1E400] =	vst v63  }
0x3f: {  	_ =	swait.ge [sflag:s0], $0x8000  }
0x40: {  	s10 =	rddreg [dreg:$0x4];
	[sflag:s0] =	ssyncset.done $0x0  }
0x41: {  	[sflag:s0] =	ssyncadd.s32 $0xFFFF8000;
	s7 =	sadd.s32 $0x0, s10  }
0x42: {  	[hbm4b:s7+s3] =	stream.linear.scatter [tilespmem:s23], [sflag:$0x5], $0x8000, $0x38;
	[tilespmem:$0x1E400] =	vst v63  }
0x43: {  	_ =	swait.ge [sflag:s18], $0x8000  }
0x44: {  	[sflag:s18] =	ssyncset.done $0x0  }
0x45: {  	s11 =	simm.s32 $0xC00;
	[sflag:s18] =	ssyncadd.s32 $0xFFFF8000  }
0x46: {  	[tilespmem:s16], [sflag:$0x1] =	stream.indirect.gather [hbm4b:s4+s15], $0x20, s11, s15, $0xb8;
	[tilespmem:$0x1E400] =	vst v63  }
0x47: {  	s8 =	simm.s32 $0xD00  }
0x48: {  	[tilespmem:s17], [sflag:$0x1] =	stream.indirect.gather [hbm4b:s4+s15], $0x20, s8, s15, $0xb8;
	[tilespmem:$0x1E400] =	vst v63  }
0x49: {  	s9 =	simm.s32 $0xE00  }
0x4a: {  	[tilespmem:s19], [sflag:$0x1] =	stream.indirect.gather [hbm4b:s4+s15], $0x20, s9, s15, $0xb8;
	[tilespmem:$0x1E400] =	vst v63  }
0x4b: {  	s10 =	simm.s32 $0xF00  }
0x4c: {  	[tilespmem:s21], [sflag:$0x1] =	stream.indirect.gather [hbm4b:s4+s15], $0x20, s10, s15, $0xb8;
	[tilespmem:$0x1E400] =	vst v63  }
0x4d: {  	_ =	swait.ge [sflag:s22], $0x8000  }
0x4e: {  	s11 =	rddreg [dreg:$0x3];
	[sflag:s22] =	ssyncset.done $0x0  }
0x4f: {  	[sflag:s22] =	ssyncadd.s32 $0xFFFF8000;
	s7 =	sadd.s32 $0x0, s11  }
0x50: {  	[hbm4b:s7+s3] =	stream.linear.scatter [tilespmem:s13], [sflag:$0x6], $0x8000, $0x38;
	[tilespmem:$0x1E400] =	vst v63  }
0x51: {  	_ =	swait.ge [sflag:s26], $0x8000  }
0x52: {  	[sflag:s26] =	ssyncset.done $0x0  }
0x53: {  	s8 =	simm.s32 $0x1000;
	[sflag:s26] =	ssyncadd.s32 $0xFFFF8000  }
0x54: {  	[tilespmem:s23], [sflag:$0x2] =	stream.indirect.gather [hbm4b:s4+s15], $0x20, s8, s15, $0xb8;
	[tilespmem:$0x1E400] =	vst v63  }
0x55: {  	s9 =	simm.s32 $0x1100  }
0x56: {  	[tilespmem:s25], [sflag:$0x2] =	stream.indirect.gather [hbm4b:s4+s15], $0x20, s9, s15, $0xb8;
	[tilespmem:$0x1E400] =	vst v63  }
0x57: {  	s10 =	simm.s32 $0x1200  }
0x58: {  	[tilespmem:s28], [sflag:$0x2] =	stream.indirect.gather [hbm4b:s4+s15], $0x20, s10, s15, $0xb8;
	[tilespmem:$0x1E400] =	vst v63  }
0x59: {  	s11 =	simm.s32 $0x1300  }
0x5a: {  	[tilespmem:s30], [sflag:$0x2] =	stream.indirect.gather [hbm4b:s4+s15], $0x20, s11, s15, $0xb8;
	[tilespmem:$0x1E400] =	vst v63  }
0x5b: {  	_ =	swait.ge [sflag:s1], $0x8000  }
0x5c: {  	s8 =	sshrl.u32 s12, $0x3;
	[sflag:s1] =	ssyncset.done $0x0  }
0x5d: {  	s7 =	sadd.s32 s2, s8;
	[sflag:s1] =	ssyncadd.s32 $0xFFFF8000  }
0x5e: {  	[hbm4b:s7+s3] =	stream.linear.scatter [tilespmem:s16], [sflag:$0x4], $0x8000, $0x38;
	[tilespmem:$0x1E400] =	vst v63  }
0x5f: {  	_ =	swait.ge [sflag:s5], $0x8000  }
0x60: {  	[sflag:s5] =	ssyncset.done $0x0  }
0x61: {  	s9 =	simm.s32 $0x1400;
	[sflag:s5] =	ssyncadd.s32 $0xFFFF8000  }
0x62: {  	[tilespmem:s13], [sflag:$0x3] =	stream.indirect.gather [hbm4b:s4+s15], $0x20, s9, s15, $0xb8;
	[tilespmem:$0x1E400] =	vst v63  }
0x63: {  	s8 =	sadd.s32 $0x18000, s12;
	s10 =	simm.s32 $0x1500  }
0x64: {  	[tilespmem:s20], [sflag:$0x3] =	stream.indirect.gather [hbm4b:s4+s15], $0x20, s10, s15, $0xb8;
	[tilespmem:$0x1E400] =	vst v63  }
0x65: {  	s11 =	simm.s32 $0x1600;
	s7 =	simm.s32 $0x3000;
	s9 =	simm.s32 $0x1700  }
0x66: {  	[tilespmem:s24], [sflag:$0x3] =	stream.indirect.gather [hbm4b:s4+s15], $0x20, s11, s15, $0xb8;
	[tilespmem:$0x1E400] =	vst v63  }
.LBB2_2:
0x67: {  	[tilespmem:s29], [sflag:$0x3] =	stream.indirect.gather [hbm4b:s4+s15], $0x20, s9, s15, $0xb8;
	[tilespmem:$0x1E400] =	vst v63  }
0x68: {  	_ =	swait.ge [sflag:s0], $0x8000  }
0x69: {  	s10 =	smov.u32 s7;
	s11 =	rddreg [dreg:$0x4];
	[sflag:s0] =	ssyncset.done $0x0  }
0x6a: {  	[sflag:s0] =	ssyncadd.s32 $0xFFFF8000;
	s9 =	sadd.s32 s10, s11  }
0x6b: {  	[hbm4b:s9+s3] =	stream.linear.scatter [tilespmem:s23], [sflag:$0x5], $0x8000, $0x38;
	[tilespmem:$0x1E400] =	vst v63  }
0x6c: {  	_ =	swait.ge [sflag:s18], $0x8000  }
0x6d: {  	s9 =	sshra.s32 s10, $0x2;
	[sflag:s18] =	ssyncset.done $0x0  }
0x6e: {  	s11 =	sadd.s32 $0xC00, s9;
	[sflag:s18] =	ssyncadd.s32 $0xFFFF8000  }
0x6f: {  	[tilespmem:s16], [sflag:$0x1] =	stream.indirect.gather [hbm4b:s4+s15], $0x20, s11, s15, $0xb8;
	[tilespmem:$0x1E400] =	vst v63  }
0x70: {  	s11 =	sadd.s32 $0xD00, s9  }
0x71: {  	[tilespmem:s17], [sflag:$0x1] =	stream.indirect.gather [hbm4b:s4+s15], $0x20, s11, s15, $0xb8;
	[tilespmem:$0x1E400] =	vst v63  }
0x72: {  	s11 =	sadd.s32 $0xE00, s9  }
0x73: {  	[tilespmem:s19], [sflag:$0x1] =	stream.indirect.gather [hbm4b:s4+s15], $0x20, s11, s15, $0xb8;
	[tilespmem:$0x1E400] =	vst v63  }
0x74: {  	s11 =	sadd.s32 $0xF00, s9  }
0x75: {  	[tilespmem:s21], [sflag:$0x1] =	stream.indirect.gather [hbm4b:s4+s15], $0x20, s11, s15, $0xb8;
	[tilespmem:$0x1E400] =	vst v63  }
0x76: {  	_ =	swait.ge [sflag:s22], $0x8000  }
0x77: {  	s11 =	rddreg [dreg:$0x3];
	[sflag:s22] =	ssyncset.done $0x0  }
0x78: {  	[sflag:s22] =	ssyncadd.s32 $0xFFFF8000;
	s10 =	sadd.s32 s10, s11  }
0x79: {  	[hbm4b:s10+s3] =	stream.linear.scatter [tilespmem:s13], [sflag:$0x6], $0x8000, $0x38;
	[tilespmem:$0x1E400] =	vst v63  }
0x7a: {  	_ =	swait.ge [sflag:s26], $0x8000  }
0x7b: {  	[sflag:s26] =	ssyncset.done $0x0  }
0x7c: {  	s11 =	sadd.s32 $0x1000, s9;
	[sflag:s26] =	ssyncadd.s32 $0xFFFF8000  }
0x7d: {  	[tilespmem:s23], [sflag:$0x2] =	stream.indirect.gather [hbm4b:s4+s15], $0x20, s11, s15, $0xb8;
	[tilespmem:$0x1E400] =	vst v63  }
0x7e: {  	s11 =	sadd.s32 $0x1100, s9  }
0x7f: {  	[tilespmem:s25], [sflag:$0x2] =	stream.indirect.gather [hbm4b:s4+s15], $0x20, s11, s15, $0xb8;
	[tilespmem:$0x1E400] =	vst v63  }
0x80: {  	s11 =	sadd.s32 $0x1200, s9  }
0x81: {  	[tilespmem:s28], [sflag:$0x2] =	stream.indirect.gather [hbm4b:s4+s15], $0x20, s11, s15, $0xb8;
	[tilespmem:$0x1E400] =	vst v63  }
0x82: {  	s11 =	sadd.s32 $0x1300, s9  }
0x83: {  	[tilespmem:s30], [sflag:$0x2] =	stream.indirect.gather [hbm4b:s4+s15], $0x20, s11, s15, $0xb8;
	[tilespmem:$0x1E400] =	vst v63  }
0x84: {  	_ =	swait.ge [sflag:s1], $0x8000  }
0x85: {  	s11 =	sshrl.u32 s8, $0x3;
	[sflag:s1] =	ssyncset.done $0x0  }
0x86: {  	s10 =	sadd.s32 s2, s11;
	[sflag:s1] =	ssyncadd.s32 $0xFFFF8000  }
0x87: {  	[hbm4b:s10+s3] =	stream.linear.scatter [tilespmem:s16], [sflag:$0x4], $0x8000, $0x38;
	[tilespmem:$0x1E400] =	vst v63  }
0x88: {  	_ =	swait.ge [sflag:s5], $0x8000  }
0x89: {  	[sflag:s5] =	ssyncset.done $0x0  }
0x8a: {  	p0 =	sne.s32 s7, $0x12000;
	s11 =	sadd.s32 $0x1400, s9;
	[sflag:s5] =	ssyncadd.s32 $0xFFFF8000  }
0x8b: {  	[tilespmem:s13], [sflag:$0x3] =	stream.indirect.gather [hbm4b:s4+s15], $0x20, s11, s15, $0xb8;
	[tilespmem:$0x1E400] =	vst v63  }
.Ltmp0:
0x8c: {  	_ = 	snop;
	(pc) =	sbr.rel @p0 .LBB2_2-.Ltmp0, $4  }
0x8d: {  	s7 =	sadd.s32 $0x3000, s7;
	s11 =	sadd.s32 $0x1500, s9  }
0x8e: {  	[tilespmem:s20], [sflag:$0x3] =	stream.indirect.gather [hbm4b:s4+s15], $0x20, s11, s15, $0xb8;
	[tilespmem:$0x1E400] =	vst v63  }
0x8f: {  	s8 =	sadd.s32 $0x18000, s8;
	s11 =	sadd.s32 $0x1600, s9;
	s9 =	sadd.s32 $0x1700, s9  }
0x90: {  	[tilespmem:s24], [sflag:$0x3] =	stream.indirect.gather [hbm4b:s4+s15], $0x20, s11, s15, $0xb8;
	[tilespmem:$0x1E400] =	vst v63  }
0x91: {  	[tilespmem:s29], [sflag:$0x3] =	stream.indirect.gather [hbm4b:s4+s15], $0x20, s9, s15, $0xb8;
	[tilespmem:$0x1E400] =	vst v63  }
0x92: {  	_ =	swait.ge [sflag:s0], $0x8000  }
0x93: {  	[sflag:s0] =	ssyncset.done $0x0  }
0x94: {  	s7 =	rddreg [dreg:$0x8];
	[sflag:s0] =	ssyncadd.s32 $0xFFFF8000  }
0x95: {  	[hbm4b:s7+s3] =	stream.linear.scatter [tilespmem:s23], [sflag:$0x5], $0x8000, $0x38;
	[tilespmem:$0x1E400] =	vst v63  }
0x96: {  	_ =	swait.ge [sflag:s18], $0x8000  }
0x97: {  	[sflag:s18] =	ssyncset.done $0x0  }
0x98: {  	s9 =	simm.s32 $0x6000;
	[sflag:s18] =	ssyncadd.s32 $0xFFFF8000  }
0x99: {  	[tilespmem:s16], [sflag:$0x1] =	stream.indirect.gather [hbm4b:s4+s15], $0x20, s9, s15, $0xb8;
	[tilespmem:$0x1E400] =	vst v63  }
0x9a: {  	s10 =	simm.s32 $0x6100  }
0x9b: {  	[tilespmem:s17], [sflag:$0x1] =	stream.indirect.gather [hbm4b:s4+s15], $0x20, s10, s15, $0xb8;
	[tilespmem:$0x1E400] =	vst v63  }
0x9c: {  	s11 =	simm.s32 $0x6200  }
0x9d: {  	[tilespmem:s19], [sflag:$0x1] =	stream.indirect.gather [hbm4b:s4+s15], $0x20, s11, s15, $0xb8;
	[tilespmem:$0x1E400] =	vst v63  }
0x9e: {  	s8 =	simm.s32 $0x6300  }
0x9f: {  	[tilespmem:s21], [sflag:$0x1] =	stream.indirect.gather [hbm4b:s4+s15], $0x20, s8, s15, $0xb8;
	[tilespmem:$0x1E400] =	vst v63  }
0xa0: {  	_ =	swait.ge [sflag:s22], $0x8000  }
0xa1: {  	[sflag:s22] =	ssyncset.done $0x0  }
0xa2: {  	s9 =	rddreg [dreg:$0x9];
	[sflag:s22] =	ssyncadd.s32 $0xFFFF8000  }
0xa3: {  	[hbm4b:s9+s3] =	stream.linear.scatter [tilespmem:s13], [sflag:$0x6], $0x8000, $0x38;
	[tilespmem:$0x1E400] =	vst v63  }
0xa4: {  	_ =	swait.ge [sflag:s1], $0x8000  }
0xa5: {  	[sflag:s1] =	ssyncset.done $0x0  }
0xa6: {  	s10 =	rddreg [dreg:$0xa];
	[sflag:s1] =	ssyncadd.s32 $0xFFFF8000  }
0xa7: {  	[hbm4b:s10+s3] =	stream.linear.scatter [tilespmem:s16], [sflag:$0x4], $0x8000, $0x38;
	[tilespmem:$0x1E400] =	vst v63  }
0xa8: {  	_ =	swait.ge [sflag:s26], $0x8000  }
0xa9: {  	[sflag:s26] =	ssyncset.done $0x0  }
0xaa: {  	[sflag:s26] =	ssyncadd.s32 $0xFFFF8000  }
0xab: {  	_ =	swait.ge [sflag:s5], $0x8000  }
0xac: {  	[sflag:s5] =	ssyncset.done $0x0  }
0xad: {  	[sflag:s5] =	ssyncadd.s32 $0xFFFF8000  }
0xae: {  	_ =	swait.ge [sflag:s18], $0x8000  }
0xaf: {  	s6 =	sadd.s32 $0x1, s6;
	s11 =	rddreg [dreg:$0xb]  }
0xb0: {  	p0 =	sne.s32 s6, s11  }
.Ltmp1:
0xb1: {  	_ = 	snop;
	(pc) =	sbr.rel @p0 .LBB2_1-.Ltmp1, $3  }
0xb2: {  	_ =	sdelay $0x1  }
0xb3: {  	[sflag:s18] =	ssyncset.done $0x0  }
0xb4: {  	[sflag:s18] =	ssyncadd.s32 $0xFFFF8000  }
0xb5: {  	_ =	sfence.sel $0x180000  }
0xb6: {  	[bflag:$0x0] =	sbarrier.arrive $0xFFFF  }
0xb7: {  	_ =	strace $0x90000047  }
0xb8: {  	s0 =	stileid.u32;
	[bflag:$0x2] =	sbarrier.arrive $0xFFFF  }
0xb9: {  	p0 =	sne.s32 s0, $0x0;
	s0 =	rddreg [dreg:$0x2]  }
0xba: {  	s0 =	sadd.s32 @!p0 $0x100000, s0  }
0xbb: {  	[sflag:s0] =	ssyncadd.tile.s32 @!p0 $0x1;
	_ =	shalt  }
.Lfunc_end2:
_tile_overlayer_lowered:
.L_overlay_start_2:
0xbc: {  	(tag) =	ssettag $0x2  }
0xbd: {  	s0 =	rddreg [dreg:$0x0];
	s2 =	stileid.u32  }
0xbe: {  	s1 =	rddreg [dreg:$0x1];
	p0 =	sne.s32 s2, $0x0  }
0xbf: {  	s3 =	rddreg [dreg:$0x2];
	[bflag:$0x3] =	sbarrier.arrive $0xFFFF;
	s2 =	simm.s32 @!p0 $0x1C09  }
0xc0: {  	[timem:s3], [sflag:s2] =	dma.local @!p0 [hbm:s0], s1  }
0xc1: {  	s0 =	simm.s32 @!p0 $0x9  }
0xc2: {  	_ =	swait.ge @!p0 [sflag:s0], s1  }
0xc3: {  	s1 =	ssub.s32 @!p0 $0x0, s1;
	[sflag:s0] =	ssyncset.done @!p0 $0x0  }
0xc4: {  	[sflag:s0] =	ssyncadd.s32 @!p0 s1  }
0xc5: {  	[bflag:$0x3] =	sbarrier.arrive $0xFFFF  }
0xc6: {  	_ =	shalt  }

// kernel: sparse-core-data-format-call.cloned.1.call-start
scs
called_computation_lowered:
.L_overlay_start_0:
0x0: {  	s2 =	sld [smem:$0x3FD9]  }
0x1: {  	s3 =	sld [smem:$0x3FFE];
	_ =	sdelay $0x1  }
0x2: {  	s1 =	srdreg.scid  }
0x3: {  	s0 =	sand.u32 $0x1, s1  }
0x4: {  	s18 =	sshll.u32 s0, $0xA;
	s2 =	sadd.s32 s3, s2  }
0x5: {  	s2 =	sadd.s32 s2, s18  }
0x6: {  	[smem:$0x3FC6] =	sst s2  }
0x7: {  	_ = 	snop  }
0x8: {  	s2 =	sld [smem:$0x3FD0];
	(tm) =	ssettm $0x1  }
0x9: {  	s19 =	sld [smem:$0x3FFB];
	_ =	sdelay $0x3  }
0xa: {  	_ =	strace s19  }
0xb: {  	s3 =	sld [smem:$0x3FFC];
	_ =	sdelay $0x3  }
0xc: {  	_ =	strace s3  }
0xd: {  	s3 =	sld [smem:$0x3FFD];
	_ =	sdelay $0x3  }
0xe: {  	_ =	strace s3  }
0xf: {  	_ =	strace $0x8FFFFFFF  }
0x10: {  	s20 =	sld [smem:$0x3FDB];
	_ =	sdelay $0x1  }
0x11: {  	s4 =	simm.s32 $_scs_section_size  }
0x12: {  	s5 =	simm.s32 $_size__tile_overlayer_lowered;
	s6 =	simm.s32 $_tile_overlayer_lowered  }
0x13: {  	s23 =	simm.s32 $0x1BFF;
	s22 =	sshll.u32 s6, $0x1;
	s3 =	sadd.s32 s4, s20  }
0x14: {  	s7 =	simm.s32 $0x0;
	s21 =	sshll.u32 s5, $0x1;
	s5 =	sadd.s32 s22, s3  }
0x15: {  	[timem:s7], [sflag:s23] =	dma.local [hbm:s5], s21  }
0x16: {  	_ =	swait.ge [sflag:s23], s21  }
0x17: {  	s4 =	ssub.s32 $0x0, s21;
	[sflag:s23] =	ssyncset.done $0x0  }
0x18: {  	[sflag:s23] =	ssyncadd.s32 s4;
	_ =	sdelay $0x1  }
0x19: {  	s24 =	simm.s32 $0x1B8B  }
0x1a: {  	_ =	swait.ge [sflag:s24], $0x1  }
0x1b: {  	[sflag:s24] =	ssyncset.done $0x0  }
0x1c: {  	s26 =	simm.s32 $0x1B8E;
	s25 =	sld [smem:$0x3FFE];
	[sflag:s24] =	ssyncadd.s32 $0xFFFFFFFF  }
0x1d: {  	s27 =	simm.s32 $execute0_lowered;
	[smem:$0x3FD2] =	sst s26  }
0x1e: {  	s5 =	sshll.u32 s27, $0x1;
	_ =	strace $0x80000049;
	[dreg:$0x1] =	wrdreg $0xFFFFFFFF  }
0x1f: {  	s28 =	simm.s32 $_size_execute0_lowered;
	s3 =	sadd.s32 s3, s5;
	[dreg:$0x0] =	wrdreg $0x0  }
0x20: {  	s5 =	sshll.u32 s28, $0x1;
	[dreg:$0x2] =	wrdreg s3  }
0x21: {  	[dreg:$0x3] =	wrdreg s5  }
0x22: {  	[dreg:$0x4] =	wrdreg $0xC0  }
0x23: {  	_ =	task [dreg:s7], $0x5FFFF  }
0x24: {  	[dreg:$0x1] =	wrdreg $0xFFFFFFFF  }
0x25: {  	[dreg:$0x0] =	wrdreg $0x60  }
0x26: {  	[dreg:$0x2] =	wrdreg s25  }
0x27: {  	[dreg:$0x3] =	wrdreg s2  }
0x28: {  	[dreg:$0x4] =	wrdreg $0x9  }
0x29: {  	_ =	task.clear_ibuf [dreg:s7], $0x5FFFF;
	_ =	strace $0x90000049  }
0x2a: {  	s29 =	simm.s32 $0x9;
	_ =	strace $0x8000004B  }
0x2b: {  	_ =	swait.ge [sflag:s29], $0x1  }
0x2c: {  	[sflag:s29] =	ssyncadd.s32 $0xFFFFFFFF  }
0x2d: {  	_ =	strace $0x9000004B  }
0x2e: {  	_ =	sfence  }
0x2f: {  	s30 =	sld [smem:$0x0];
	_ =	sdelay $0x2  }
0x30: {  	s31 =	sshll.u32 s1, $0xD;
	s1 =	sshrl.u32 s1, $0x2  }
0x31: {  	s3 =	sand.u32 $0x4000, s31;
	s1 =	sadd.s32 s1, s30  }
0x32: {  	s0 =	sor.u32 s3, s0;
	s1 =	sshll.u32 s1, $0x11  }
0x33: {  	s0 =	sor.u32 s1, s0  }
0x34: {  	s0 =	sadd.s32 $0x8F2B, s0  }
0x35: {  	[sflag:s0] =	ssyncadd.remote.s32 $0x1  }
0x36: {  	_ =	sfence.sel $0xFFFF  }
0x37: {  	[dreg:$0x0] =	wrdreg $0xFFFFFFFF;
	(pc) =	sbr.abs _section_cstart, $3  }
0x38: {  	[dreg:$0x1] =	wrdreg $0xFFFFFFFF  }
0x39: {  	_ =	task.clear_ibuf [dreg:s7], $0x2FFFF;
	_ =	strace $0x9FFFFFFF  }
0x3a: {  	(tm) =	ssettm $0x7FFFFFFF  }
0x3b: {  	_ =	shalt  }
tec
execute0_lowered:
.L_overlay_start_1:
0x0: {  	(tag) =	ssettag $0x1  }
0x1: {  	s0 =	srdreg.scid  }
0x2: {  	s1 =	sshll.u32 s0, $0x4  }
0x3: {  	s6 =	rddreg [dreg:$0x0];
	s0 =	stileid.u32;
	s1 =	sand.u32 $0x10, s1  }
0x4: {  	s3 =	rddreg [dreg:$0x1];
	s1 =	sor.u32 s0, s1  }
0x5: {  	s5 =	simm.s32 $0x1;
	s31 =	simm.s32 $0x2;
	s2 =	sshll.u32 s1, $0x7  }
0x6: {  	s15 =	simm.s32 $0x0;
	s8 =	simm.s32 $0x20000;
	s4 =	ssub.s32 $0x4000, s2  }
0x7: {  	s14 =	simm.s32 $0x0;
	s9 =	simm.s32 $0x0;
	s30 =	sand.u32 $0xF80, s4  }
0x8: {  	s10 =	simm.s32 $0x0;
	s11 =	simm.s32 $0x0;
	p0 =	sne.s32 s30, $0x0  }
.Ltmp0:
0x9: {  	s7 =	sshrl.u32 s4, $0xC;
	s5 =	simm.s32 @!p0 $0x0;
	(pc) =	sbr.rel .LBB1_1-.Ltmp0, $4  }
0xa: {  	s13 =	simm.s32 $0x0;
	s1 =	rddreg [dreg:$0x2];
	s5 =	sadd.s32 s5, s7  }
0xb: {  	_ =	strace $0x8000004A;
	s4 =	simm.s32 $0x1;
	s5 =	smul.u32 $0xD, s5  }
0xc: {  	s6 =	sadd.s32 $0x1800, s6;
	s12 =	smov.u32 s2;
	[sflag:s4] =	ssyncpa.u1 $0x0  }
0xd: {  	[sflag:s31] =	ssyncpa.u1 $0x0;
	p0 =	por $0x0, $0x0;
	s7 =	sadd.s32 $0x1, s5  }
.LBB1_4:
0xe: {  	s20 =	sshra.s32 s20, $0x2  }
0xf: {  	s28 =	sand.u32 $0x78, s10;
	s21 =	sshll.u32 s9, $0xE;
	s22 =	sshll.u32 s10, $0x3  }
0x10: {  	s24 =	sshll.u32 s9, $0x7;
	p1 =	sgt.s32 s9, $0x5C0;
	s30 =	sshra.s32 s9, $0x1F  }
0x11: {  	s26 =	sshra.s32 s10, $0x1F;
	s19 =	sadd.s32 s20, s19;
	s21 =	sand.u32 $0xFFFE0000, s21  }
0x12: {  	v5 =	vld [tilespmem:s17+$0xFFFFFFD0];
	[tilespmem:s18+$0x2040 ss:$0x81] =	vst.msk $0xffff, v4;
	s23 =	sand.u32 $0xFFFFFC00, s22;
	s29 =	sand.u32 $0x380, s24;
	s22 =	sand.u32 $0x3C00, s22  }
0x13: {  	v58 =	vld [tilespmem:s17+$0xFFFFFFE0];
	[tilespmem:s18+$0x2850 ss:$0x81] =	vst.msk $0xffff, v3;
	s21 =	sadd.s32 s23, s21;
	s20 =	sor.u32 s28, s22;
	s22 =	smov.u32 s9  }
0x14: {  	v59 =	vld [tilespmem:s17+$0xFFFFFFF0];
	[tilespmem:s18+$0x3060 ss:$0x81] =	vst.msk $0xffff, v2;
	s24 =	sand.u32 s30, s9;
	s21 =	sshrl.u32 s21, $0xE;
	s22 =	simm.s32 @!p1 $0x5C0  }
0x15: {  	v60 =	vld [tilespmem:s17+$0x0];
	[tilespmem:s18+$0x0 ss:$0x81] =	vst.msk $0xffff, v1;
	p1 =	sgt.s32 s10, $0x3F80;
	s31 =	ssub.s32 s22, s24;
	s22 =	smov.u32 s10  }
0x16: {  	v61 =	vld [tilespmem:s17+$0x10];
	[tilespmem:s19+$0x3870 ss:$0x81] =	vst.msk $0xffff, v0;
	s25 =	smulhi.u32 $0x28F5C3, s21;
	s24 =	sand.u32 s26, s10;
	s22 =	simm.s32 @!p1 $0x3F80  }
0x17: {  	v62 =	vld [tilespmem:s17+$0x20];
	s20 =	sor.u32 s29, s20;
	[tilespmem:s19+$0x810 ss:$0x81] =	vst.msk $0xffff, v5;
	s27 =	sadd.s32 $0xFFFFFA40, s31;
	s22 =	ssub.s32 s22, s24  }
0x18: {  	v63 =	vld [tilespmem:s17+$0xFFFFFFC0];
	[tilespmem:s19+$0x1020 ss:$0x81] =	vst.msk $0xffff, v58;
	s18 =	ssub.s32 $0x640, s31;
	s28 =	smul.u32 $0x640, s25;
	s29 =	sadd.s32 $0xFFFFC080, s22  }
0x19: {  	[tilespmem:s19+$0x1830 ss:$0x81] =	vst.msk $0xffff, v59;
	p1 =	sgt.s32 s27, $0x7F;
	s22 =	ssub.s32 $0x4000, s22;
	p2 =	sgt.s32 s29, $0x7F  }
0x1a: {  	s30 =	sand.u32 $0x7, s10;
	[tilespmem:s19+$0x2040 ss:$0x81] =	vst.msk $0xffff, v60;
	s18 =	simm.s32 @p1 $0x0;
	s22 =	simm.s32 @p2 $0x0  }
0x1b: {  	s20 =	sshrl.u32 s20, $0x3;
	[tilespmem:s19+$0x2850 ss:$0x81] =	vst.msk $0xffff, v61;
	s17 =	ssub.s32 s21, s28;
	s18 =	smul.u32 s22, s18  }
0x1c: {  	[tilespmem:s19+$0x3060 ss:$0x81] =	vst.msk $0xffff, v62;
	s20 =	sadd.s32 s3, s20;
	s21 =	sshll.u32 s30, $0x12;
	s17 =	sshll.u32 s17, $0xB  }
0x1d: {  	[tilespmem:s19+$0x0 ss:$0x81] =	vst.msk $0xffff, v63;
	s31 =	sor.u32 $0x400, s21;
	s17 =	sadd.s32 s17, s20;
	s18 =	sand.u32 $0x3FFFFFFF, s18  }
0x1e: {  	[hbm4b:s17+s31] =	stream.strided.scatter [tilespmem:s16], [sflag:$0x2], s18, s8, s31, $0x20;
	[tilespmem:$0x10100] =	vst v63  }
.LBB1_5:
0x1f: {  	p1 =	slt.u32 s13, $0x2  }
0x20: {  	s17 =	smov.u32 s15;
	p2 =	sgt.s32 @!p1 s15, $0x5C0;
	s16 =	sshra.s32 @!p1 s15, $0x1F  }
0x21: {  	p3 =	sgt.s32 @!p1 s14, $0x3F80;
	s18 =	sshra.s32 @!p1 s14, $0x1F;
	p2 =	por !p2, p1  }
0x22: {  	s15 =	sand.u32 @!p1 s16, s15;
	p3 =	por !p3, p1;
	s16 =	smov.u32 s14  }
0x23: {  	s14 =	sand.u32 @!p1 s18, s14;
	s17 =	simm.s32 @p2 $0x5C0;
	s16 =	simm.s32 @p3 $0x3F80  }
0x24: {  	s15 =	ssub.s32 @!p1 s17, s15;
	s14 =	ssub.s32 @!p1 s16, s14  }
0x25: {  	s18 =	smov.u32 s12;
	s16 =	sadd.s32 @!p1 $0xFFFFFA40, s15;
	s17 =	sadd.s32 @!p1 $0xFFFFC080, s14  }
0x26: {  	s15 =	ssub.s32 @!p1 $0x640, s15;
	p2 =	sgt.s32 @!p1 s16, $0x7F;
	p3 =	sgt.s32 @!p1 s17, $0x7F  }
0x27: {  	s14 =	ssub.s32 @!p1 $0x4000, s14;
	p2 =	por !p2, p1;
	p3 =	por !p3, p1  }
0x28: {  	s16 =	sadd.s32 $0x80, s11;
	s15 =	simm.s32 @!p2 $0x0;
	s14 =	simm.s32 @!p3 $0x0  }
0x29: {  	p2 =	sgt.s32 s16, $0x63F;
	s14 =	smul.u32 @!p1 s14, s15;
	s15 =	sadd.s32 $0x1000, s12  }
0x2a: {  	s18 =	smov.u32 @p2 s15  }
0x2b: {  	s16 =	simm.s32 @p2 $0x0;
	p2 =	sgt.s32 s18, $0x3FFF  }
0x2c: {  	s18 =	smov.u32 @p2 s2;
	p2 =	sne.s32 s13, s7  }
.Ltmp1:
0x2d: {  	p0 =	por !p0, !p0;
	s17 =	simm.s32 @!p1 $0x2;
	(pc) =	sbr.rel @!p2 .LBB1_6-.Ltmp1, $4  }
0x2e: {  	s15 =	smov.u32 s9;
	s9 =	smov.u32 s11;
	s14 =	sand.u32 @!p1 $0x3FFFFFFF, s14  }
0x2f: {  	s11 =	smov.u32 s16;
	_ =	swait.ge @!p1 [sflag:s17], s14;
	s19 =	ssub.s32 @!p1 $0x0, s14  }
0x30: {  	s14 =	smov.u32 s10;
	s13 =	sadd.s32 $0x1, s13;
	[sflag:s17] =	ssyncset.done @!p1 $0x0  }
0x31: {  	s10 =	smov.u32 s12;
	s12 =	smov.u32 s18;
	[sflag:s17] =	ssyncadd.s32 @!p1 s19  }
.LBB1_1:
0x32: {  	p1 =	sge.u32 s13, s5  }
0x33: {  	s16 =	sshrl.u32 @!p1 s12, $0x3  }
0x34: {  	s17 =	sshll.u32 @!p1 s11, $0x3;
	s16 =	smul.u32 @!p1 $0x3400, s16  }
0x35: {  	s18 =	sshll.u32 @!p1 s12, $0x7;
	s17 =	sand.u32 @!p1 $0xFFFFFC00, s17  }
0x36: {  	s16 =	sadd.s32 @!p1 s16, s17;
	s17 =	sand.u32 @!p1 $0x380, s18  }
0x37: {  	s18 =	sand.u32 @!p1 $0x7F, s11;
	s16 =	sor.u32 @!p1 s17, s16  }
0x38: {  	s17 =	sor.u32 @!p1 s18, s16  }
0x39: {  	s18 =	smulhi.u32 @!p1 $0x4EC4EC4F, s17;
	_ =	sdelay $0x1  }
0x3a: {  	s16 =	smulhi.u32 @!p1 $0x4EC4EC4F, s16;
	s18 =	sshrl.u32 @!p1 s18, $0x9  }
0x3b: {  	s18 =	smul.u32 @!p1 $0x680, s18  }
0x3c: {  	s31 =	sadd.s32 $0xFFFFFFFF, s13;
	s19 =	sxor.u32 @!p1 $0xFFFFFFFF, s13;
	s16 =	sshrl.u32 @!p1 s16, $0x9  }
0x3d: {  	s19 =	sshll.u32 @!p1 s19, $0xE;
	s16 =	sand.u32 @!p1 $0x3FFF, s16;
	s17 =	ssub.s32 @!p1 s17, s18  }
0x3e: {  	s16 =	smul.u32 @!p1 $0xD0, s16;
	s18 =	sshrl.u32 @!p1 s17, $0x3;
	s17 =	sand.u32 @!p1 $0x7, s17  }
0x3f: {  	s19 =	sand.u32 @!p1 $0x4000, s19;
	s18 =	sadd.s32 @!p1 s6, s18;
	s17 =	sshll.u32 @!p1 s17, $0x12  }
0x40: {  	s16 =	sadd.s32 @!p1 s16, s18;
	s17 =	sor.u32 @!p1 $0x400, s17;
	s18 =	simm.s32 @!p1 $0x3400  }
0x41: {  	[tilespmem:s19], [sflag:$0x1] =	stream.strided.gather @!p1 [hbm4b:s16+s17], $0x4000, s18, s17, $0x38;
	[tilespmem:$0x10100] =	vst v63  }
0x42: {  	p1 =	sge.u32 s31, s5  }
.Ltmp2:
0x43: {  	_ = 	snop;
	(pc) =	sbr.rel @p1 .LBB1_5-.Ltmp2, $1  }
0x44: {  	_ =	sdelay $0x3  }
0x45: {  	s16 =	simm.s32 $0x1  }
0x46: {  	_ =	swait.ge [sflag:s4], $0x4000;
	s16 =	simm.s32 @!p0 $0x0  }
0x47: {  	[sflag:s4] =	ssyncset.done $0x0;
	s17 =	sshll.u32 s16, $0xE  }
0x48: {  	[sflag:s4] =	ssyncadd.s32 $0xFFFFC000;
	s17 =	sor.u32 $0x40, s17  }
0x49: {  	s16 =	smul.u32 $0x10200, s16;
	v0 =	vld [tilespmem:s17+$0x30]  }
0x4a: {  	v1 =	vld [tilespmem:s17+$0xFFFFFFD0]  }
0x4b: {  	s16 =	sshrl.u32 s16, $0x2;
	v5 =	vld [tilespmem:s17+$0xFFFFFFE0]  }
0x4c: {  	v6 =	vld [tilespmem:s17+$0xFFFFFFF0];
	s19 =	sor.u32 $0x8000, s16  }
0x4d: {  	s31 =	sand.u32 $0x1, s13;
	v4 =	vld [tilespmem:s17+$0x0];
	s18 =	sadd.s32 $0x0, s19  }
0x4e: {  	v3 =	vld [tilespmem:s17+$0x10];
	s16 =	smul.u32 $0x10200, s31;
	[tilespmem:s18+$0x3870 ss:$0x81] =	vst.msk $0xffff, v0  }
0x4f: {  	v2 =	vld [tilespmem:s17+$0x20];
	[tilespmem:s18+$0x810 ss:$0x81] =	vst.msk $0xffff, v1  }
0x50: {  	s16 =	sshrl.u32 s16, $0x2;
	v1 =	vld [tilespmem:s17+$0xFFFFFFC0];
	[tilespmem:s18+$0x1020 ss:$0x81] =	vst.msk $0xffff, v5;
	s17 =	sadd.s32 $0x80, s17  }
0x51: {  	s20 =	simm.s32 $0x4;
	s21 =	simm.s32 $0x8;
	s16 =	sor.u32 $0x8000, s16;
	[tilespmem:s18+$0x1830 ss:$0x81] =	vst.msk $0xffff, v6;
	v0 =	vld [tilespmem:s17+$0x30]  }
.LBB1_3:
0x52: {  	p1 =	sne.s32 s21, $0x1FC;
	v5 =	vld [tilespmem:s17+$0xFFFFFFD0];
	[tilespmem:s18+$0x2040 ss:$0x81] =	vst.msk $0xffff, v4  }
0x53: {  	v6 =	vld [tilespmem:s17+$0xFFFFFFE0];
	[tilespmem:s18+$0x2850 ss:$0x81] =	vst.msk $0xffff, v3  }
0x54: {  	s22 =	sshra.s32 s20, $0x2;
	s20 =	smov.u32 s21;
	v7 =	vld [tilespmem:s17+$0xFFFFFFF0];
	[tilespmem:s18+$0x3060 ss:$0x81] =	vst.msk $0xffff, v2  }
.Ltmp3:
0x55: {  	v4 =	vld [tilespmem:s17+$0x0];
	[tilespmem:s18+$0x0 ss:$0x81] =	vst.msk $0xffff, v1;
	s18 =	sadd.s32 s22, s19;
	(pc) =	sbr.rel @p1 .LBB1_3-.Ltmp3, $4  }
0x56: {  	v3 =	vld [tilespmem:s17+$0x10];
	[tilespmem:s18+$0x3870 ss:$0x81] =	vst.msk $0xffff, v0  }
0x57: {  	[tilespmem:s18+$0x810 ss:$0x81] =	vst.msk $0xffff, v5;
	v2 =	vld [tilespmem:s17+$0x20]  }
0x58: {  	v1 =	vld [tilespmem:s17+$0xFFFFFFC0];
	[tilespmem:s18+$0x1020 ss:$0x81] =	vst.msk $0xffff, v6;
	s17 =	sadd.s32 $0x80, s17  }
0x59: {  	s21 =	sadd.s32 $0x4, s21;
	v0 =	vld [tilespmem:s17+$0x30];
	[tilespmem:s18+$0x1830 ss:$0x81] =	vst.msk $0xffff, v7  }
.Ltmp4:
0x5a: {  	_ = 	snop;
	(pc) =	sbr.rel .LBB1_4-.Ltmp4, $1  }
0x5b: {  	_ =	sdelay $0x3  }
.LBB1_6:
0x5c: {  	_ =	sfence.sel $0x180000  }
0x5d: {  	s2 =	simm.s32 $0x1;
	[bflag:$0x0] =	sbarrier.arrive $0xFFFF  }
0x5e: {  	s31 =	simm.s32 $0x2;
	[sflag:s2] =	ssyncpa.u1 $0x1  }
0x5f: {  	[sflag:s31] =	ssyncpa.u1 $0x1  }
0x60: {  	p0 =	sne.s32 s0, $0x0;
	_ =	strace $0x9000004A  }
0x61: {  	s0 =	sadd.s32 @!p0 $0x100000, s1;
	[bflag:$0x2] =	sbarrier.arrive $0xFFFF  }
0x62: {  	[sflag:s0] =	ssyncadd.tile.s32 @!p0 $0x1;
	_ =	shalt  }
.Lfunc_end1:
_tile_overlayer_lowered:
.L_overlay_start_2:
0x63: {  	(tag) =	ssettag $0x2  }
0x64: {  	s0 =	rddreg [dreg:$0x0];
	s2 =	stileid.u32  }
0x65: {  	s1 =	rddreg [dreg:$0x1];
	p0 =	sne.s32 s2, $0x0  }
0x66: {  	s3 =	rddreg [dreg:$0x2];
	[bflag:$0x3] =	sbarrier.arrive $0xFFFF;
	s2 =	simm.s32 @!p0 $0x1C01  }
0x67: {  	[timem:s3], [sflag:s2] =	dma.local @!p0 [hbm:s0], s1  }
0x68: {  	s0 =	simm.s32 @!p0 $0x1  }
0x69: {  	_ =	swait.ge @!p0 [sflag:s0], s1  }
0x6a: {  	s1 =	ssub.s32 @!p0 $0x0, s1;
	[sflag:s0] =	ssyncset.done @!p0 $0x0  }
0x6b: {  	[sflag:s0] =	ssyncadd.s32 @!p0 s1  }
0x6c: {  	[bflag:$0x3] =	sbarrier.arrive $0xFFFF  }
0x6d: {  	_ =	shalt  }

</sc_bundles>
